<compile_context>
chip_gen: v7x
topology: tpu7x:2x2x1
jax: 0.10.2.dev20260603
libtpu: 0.0.44.dev20260713+nightly
codegen_flags: <defaults>
</compile_context>

<pallas_src>
import functools

import jax
import jax.numpy as jnp
from jax import lax
from jax.experimental import pallas as pl
from jax.experimental.pallas import tpu as pltpu
from jax.experimental.pallas import tpu_sc as plsc

N = 10000
E = 320000
DIN = 128
DOUT = 128

NC = 2
NS = 16
NT = NC * NS
EPT = E // NT
CHUNK = 128
CPT = 80
STAGE = 40
ACC_ROWS = 10112
ROWS_PT = ACC_ROWS // NS
TRASH = ACC_ROWS - 1
DEG_LEN = 10240
DEGS_PT = DEG_LEN // NS


def _sc_aggregate(h, u3, v3):
    mesh = plsc.VectorSubcoreMesh(core_axis_name="c", subcore_axis_name="s")

    @functools.partial(
        pl.kernel,
        out_type=[
            jax.ShapeDtypeStruct((NC, ACC_ROWS, DIN), jnp.float32),
            jax.ShapeDtypeStruct((NC * DEG_LEN,), jnp.float32),
        ],
        mesh=mesh,
        scratch_types=[
            pltpu.VMEM_SHARED((ACC_ROWS, DIN), jnp.float32),
            pltpu.VMEM_SHARED((DEG_LEN,), jnp.float32),
            pltpu.VMEM((STAGE, CHUNK), jnp.int32),
            pltpu.VMEM((STAGE, CHUNK), jnp.int32),
            pltpu.VMEM((CHUNK, DIN), jnp.float32),
            pltpu.VMEM((CHUNK, DIN), jnp.float32),
            pltpu.VMEM((CHUNK,), jnp.float32),
            pltpu.VMEM((DEGS_PT,), jnp.float32),
            pltpu.SemaphoreType.DMA,
            pltpu.SemaphoreType.DMA,
            pltpu.SemaphoreType.DMA,
        ],
    )
    def agg(h_hbm, u_hbm, v_hbm, sum_out, deg_out,
            acc, dacc, ub, vb, rows0, rows1, ones, zdeg, sem0, sem1, sem2):
        c = lax.axis_index("c")
        s = lax.axis_index("s")
        wid = c * NS + s

        z16 = jnp.zeros((16,), jnp.float32)
        o16 = jnp.ones((16,), jnp.float32)

        @pl.loop(0, CHUNK)
        def _(i):
            for j in range(DIN // 16):
                rows0[i, pl.ds(j * 16, 16)] = z16

        @pl.loop(0, DEGS_PT // 16)
        def _(i):
            zdeg[pl.ds(i * 16, 16)] = z16

        for j in range(CHUNK // 16):
            ones[pl.ds(j * 16, 16)] = o16

        r_base = s * ROWS_PT
        for t in range(4):
            pltpu.sync_copy(rows0, acc.at[pl.ds(r_base + t * CHUNK, CHUNK)])
        pltpu.sync_copy(rows0.at[pl.ds(0, 120)],
                        acc.at[pl.ds(r_base + 4 * CHUNK, 120)])
        pltpu.sync_copy(zdeg, dacc.at[pl.ds(s * DEGS_PT, DEGS_PT)])

        plsc.subcore_barrier()

        for st in range(2):
            pltpu.sync_copy(u_hbm.at[wid, pl.ds(st * STAGE, STAGE)], ub)
            pltpu.sync_copy(v_hbm.at[wid, pl.ds(st * STAGE, STAGE)], vb)

            pltpu.async_copy(h_hbm.at[ub.at[0]], rows0, sem0)

            @pl.loop(0, STAGE // 2 - 1)
            def _(jj):
                j0 = 2 * jj
                pltpu.make_async_copy(h_hbm.at[ub.at[j0]], rows0, sem0).wait()
                pltpu.async_copy(h_hbm.at[ub.at[j0 + 1]], rows1, sem1)
                pltpu.sync_copy(rows0, acc.at[vb.at[j0]], add=True)
                pltpu.async_copy(ones, dacc.at[vb.at[j0]], sem2, add=True)
                pltpu.make_async_copy(h_hbm.at[ub.at[j0 + 1]], rows1, sem1).wait()
                pltpu.async_copy(h_hbm.at[ub.at[j0 + 2]], rows0, sem0)
                pltpu.sync_copy(rows1, acc.at[vb.at[j0 + 1]], add=True)
                pltpu.async_copy(ones, dacc.at[vb.at[j0 + 1]], sem2, add=True)

            pltpu.make_async_copy(h_hbm.at[ub.at[STAGE - 2]], rows0, sem0).wait()
            pltpu.async_copy(h_hbm.at[ub.at[STAGE - 1]], rows1, sem1)
            pltpu.sync_copy(rows0, acc.at[vb.at[STAGE - 2]], add=True)
            pltpu.async_copy(ones, dacc.at[vb.at[STAGE - 2]], sem2, add=True)
            pltpu.make_async_copy(h_hbm.at[ub.at[STAGE - 1]], rows1, sem1).wait()
            pltpu.sync_copy(rows1, acc.at[vb.at[STAGE - 1]], add=True)
            pltpu.async_copy(ones, dacc.at[vb.at[STAGE - 1]], sem2, add=True)

            @pl.loop(0, STAGE)
            def _(j):
                pltpu.make_async_copy(ones, dacc.at[vb.at[0]], sem2).wait()

        plsc.subcore_barrier()

        for t in range(4):
            r0 = r_base + t * CHUNK
            pltpu.async_copy(acc.at[pl.ds(r0, CHUNK)],
                             sum_out.at[c, pl.ds(r0, CHUNK)], sem0)
        r0 = r_base + 4 * CHUNK
        pltpu.async_copy(acc.at[pl.ds(r0, 120)],
                         sum_out.at[c, pl.ds(r0, 120)], sem1)
        pltpu.sync_copy(dacc.at[pl.ds(s * DEGS_PT, DEGS_PT)],
                        deg_out.at[pl.ds(c * DEG_LEN + s * DEGS_PT, DEGS_PT)])
        for t in range(4):
            r0 = r_base + t * CHUNK
            pltpu.make_async_copy(acc.at[pl.ds(r0, CHUNK)],
                                  sum_out.at[c, pl.ds(r0, CHUNK)], sem0).wait()
        r0 = r_base + 4 * CHUNK
        pltpu.make_async_copy(acc.at[pl.ds(r0, 120)],
                              sum_out.at[c, pl.ds(r0, 120)], sem1).wait()

    return agg(h, u3, v3)


def _tc_h_proj(h, W, b):
    BLK = 2000

    def body(h_ref, w_ref, b_ref, o_ref):
        o_ref[...] = jnp.dot(h_ref[...], w_ref[...],
                             preferred_element_type=jnp.float32) + b_ref[...]

    return pl.pallas_call(
        body,
        grid=(N // BLK,),
        in_specs=[
            pl.BlockSpec((BLK, DIN), lambda i: (i, 0)),
            pl.BlockSpec((DIN, DOUT), lambda i: (0, 0)),
            pl.BlockSpec((1, DOUT), lambda i: (0, 0)),
        ],
        out_specs=pl.BlockSpec((BLK, DOUT), lambda i: (i, 0)),
        out_shape=jax.ShapeDtypeStruct((N, DOUT), jnp.float32),
    )(h, W, b)


def _tc_update(t1, part_sums, part_degs, W2, gamma, beta):
    BLK = 5000

    def body(t1_ref, s_ref, d_ref, w_ref, g_ref, be_ref, o_ref):
        sm = s_ref[0] + s_ref[1]
        dg = jnp.maximum(d_ref[0] + d_ref[1], 1.0)
        mean = sm / dg
        out = t1_ref[...] + jnp.dot(mean, w_ref[...],
                                    preferred_element_type=jnp.float32)
        mu = jnp.mean(out, axis=-1, keepdims=True)
        var = jnp.mean((out - mu) ** 2, axis=-1, keepdims=True)
        y = (out - mu) * lax.rsqrt(var + 1e-5)
        y = y * g_ref[...] + be_ref[...]
        o_ref[...] = 0.5 * y * (1.0 + lax.erf(y * 0.7071067811865476))

    return pl.pallas_call(
        body,
        grid=(N // BLK,),
        in_specs=[
            pl.BlockSpec((BLK, DOUT), lambda i: (i, 0)),
            pl.BlockSpec((NC, BLK, DIN), lambda i: (0, i, 0)),
            pl.BlockSpec((NC, BLK, 1), lambda i: (0, i, 0)),
            pl.BlockSpec((DIN, DOUT), lambda i: (0, 0)),
            pl.BlockSpec((1, DOUT), lambda i: (0, 0)),
            pl.BlockSpec((1, DOUT), lambda i: (0, 0)),
        ],
        out_specs=pl.BlockSpec((BLK, DOUT), lambda i: (i, 0)),
        out_shape=jax.ShapeDtypeStruct((N, DOUT), jnp.float32),
    )(t1, part_sums, part_degs, W2, gamma, beta)


def kernel(h, edge_index, W, b, gamma, beta):
    pade = NT * CPT * CHUNK - E
    pad_u = jnp.arange(pade, dtype=jnp.int32) % N
    pad_v = N + (jnp.arange(pade, dtype=jnp.int32) % (ACC_ROWS - N))
    u3 = jnp.concatenate([edge_index[0], pad_u]).reshape(NT, CPT, CHUNK)
    v3 = jnp.concatenate([edge_index[1], pad_v]).reshape(NT, CPT, CHUNK)
    t1 = _tc_h_proj(h, W[:DIN, :], b.reshape(1, DOUT))
    part_sums, degp = _sc_aggregate(h, u3, v3)
    part_degs = degp.reshape(NC, DEG_LEN, 1)
    return _tc_update(
        t1, part_sums, part_degs,
        W[DIN:, :], gamma.reshape(1, DOUT), beta.reshape(1, DOUT),
    )

# --- scband reference (transcript-rebuilt; emitter-appended) ---
"""Pipeline reference for scband-sageconv-mean-82987358093430 (READ-ONLY COPY).

The authoritative reference and input builder live on the scoring server;
editing this copy changes nothing except your own understanding.
"""

import jax, jax.numpy as jnp
import numpy as np

N = 10000
E = 320000
DIN = 128
DOUT = 128


def setup_inputs(seed: int = 0) -> dict:
    key = jax.random.key(seed)
    k1, k2, k3 = jax.random.split(key, 3)
    h = jax.random.normal(k1, (N, DIN), dtype=jnp.float32)
    edge_index = jax.random.randint(k2, (2, E), 0, N, dtype=jnp.int32)
    # upd_lin: Linear(in=2*DIN, out=DOUT), xavier_uniform init, zero bias
    limit = float(np.sqrt(6.0 / (2 * DIN + DOUT)))
    W = jax.random.uniform(k3, (2 * DIN, DOUT), dtype=jnp.float32, minval=-limit, maxval=limit)
    b = jnp.zeros((DOUT,), dtype=jnp.float32)
    # LayerNorm affine params
    gamma = jnp.ones((DOUT,), dtype=jnp.float32)
    beta = jnp.zeros((DOUT,), dtype=jnp.float32)
    return {"h": h, "edge_index": edge_index, "W": W, "b": b, "gamma": gamma, "beta": beta}


def reference(h, edge_index, W, b, gamma, beta):
    u = edge_index[0]
    v = edge_index[1]
    # message = identity on gathered source features (edge_dim=None)
    m = jnp.take(h, u, axis=0)                        # gather [E, DIN]
    # segment mean over dst nodes with degree clamp
    summed = jax.ops.segment_sum(m, v, num_segments=N)
    deg = jax.ops.segment_sum(jnp.ones((m.shape[0],), dtype=h.dtype), v, num_segments=N)
    deg = jnp.clip(deg, 1.0, None)
    mean_m = summed / deg[:, None]
    # update: Linear([h || mean_m]) -> LayerNorm -> GELU (dropout=0 is identity)
    upd_in = jnp.concatenate([h, mean_m], axis=-1)
    out = upd_in @ W + b
    mu = out.mean(axis=-1, keepdims=True)
    var = ((out - mu) ** 2).mean(axis=-1, keepdims=True)
    y = (out - mu) / jnp.sqrt(var + 1e-5)
    y = y * gamma + beta
    return jax.nn.gelu(y, approximate=False)

if __name__ == "__main__":
    import jax
    _d = setup_inputs()
    print(jax.jit(kernel)(*tuple(_d.values())))

</pallas_src>

<mosaic_0001>
#map = affine_map<(d0, d1) -> (0, 0)>
#map1 = affine_map<(d0, d1) -> (0, 0, 0)>
#map2 = affine_map<(d0, d1) -> (0)>
module attributes {stable_mosaic.version = 14 : i64} {
  func.func @agg(%arg0: i32, %arg1: i32, %arg2: memref<10000x128xf32, #tpu.memory_space<hbm>>, %arg3: memref<32x80x128xi32, #tpu.memory_space<hbm>>, %arg4: memref<32x80x128xi32, #tpu.memory_space<hbm>>, %arg5: memref<2x10112x128xf32, #tpu.memory_space<hbm>>, %arg6: memref<20480xf32, #tpu.memory_space<hbm>>, %arg7: memref<10112x128xf32, #tpu.memory_space<vmem_shared>>, %arg8: memref<10240xf32, #tpu.memory_space<vmem_shared>>, %arg9: memref<40x128xi32, #tpu.memory_space<vmem>>, %arg10: memref<40x128xi32, #tpu.memory_space<vmem>>, %arg11: memref<128x128xf32, #tpu.memory_space<vmem>>, %arg12: memref<128x128xf32, #tpu.memory_space<vmem>>, %arg13: memref<128xf32, #tpu.memory_space<vmem>>, %arg14: memref<640xf32, #tpu.memory_space<vmem>>, %arg15: memref<!tpu.dma_semaphore, #tpu.memory_space<semaphore_mem>>, %arg16: memref<!tpu.dma_semaphore, #tpu.memory_space<semaphore_mem>>, %arg17: memref<!tpu.dma_semaphore, #tpu.memory_space<semaphore_mem>>) attributes {dimension_semantics = [#tpu.dimension_semantics<core_parallel>, #tpu.dimension_semantics<subcore_parallel>], iteration_bounds = array<i64: 2, 16>, scalar_prefetch = 0 : i64, scratch_operands = 11 : i64, tpu.core_type = #tpu.core_type<sc_vector_subcore>, window_params = [{transform_indices = #map}, {transform_indices = #map1}, {transform_indices = #map1}, {transform_indices = #map1}, {transform_indices = #map2}]} {
    %mul3A = arith.constant 16 : i32
    %mul3A_0 = arith.muli %arg0, %mul3A : i32
    %add3A = arith.addi %mul3A_0, %arg1 : i32
    %broadcast_in_dim3A = arith.constant 0.000000e+00 : f32
    %broadcast_in_dim3A_1 = vector.broadcast %broadcast_in_dim3A : f32 to vector<16xf32>
    %broadcast_in_dim3A_2 = arith.constant 1.000000e+00 : f32
    %broadcast_in_dim3A_3 = vector.broadcast %broadcast_in_dim3A_2 : f32 to vector<16xf32>
    %scan3A = arith.constant 0 : i32
    %scan3A_4 = arith.constant 128 : i32
    %scan3A_5 = arith.addi %scan3A, %scan3A_4 : i32
    %scan3A_6 = arith.constant 1 : i32
    scf.for %scan3A_237 = %scan3A to %scan3A_5 step %scan3A_6  : i32 {
      %mul3A_238 = arith.constant 1 : i32
      %mul3A_239 = arith.muli %scan3A_237, %mul3A_238 : i32
      %add3A_240 = arith.constant 0 : i32
      %add3A_241 = arith.addi %add3A_240, %mul3A_239 : i32
      %swap3A_242 = arith.index_cast %add3A_241 : i32 to index
      %swap3A_243 = arith.constant 0 : index
      %swap3A_244 = tpu.vector_load %arg11[%swap3A_242, %swap3A_243] {strides = array<i32>} : memref<128x128xf32, #tpu.memory_space<vmem>>, vector<1x16xf32>,
      %swap3A_245 = vector.shape_cast %swap3A_244 : vector<1x16xf32> to vector<16xf32>
      %swap3A_246 = vector.shape_cast %broadcast_in_dim3A_1 : vector<16xf32> to vector<1x16xf32>
      tpu.vector_store %arg11[%swap3A_242, %swap3A_243], %swap3A_246 {strides = array<i32>} : memref<128x128xf32, #tpu.memory_space<vmem>>, vector<1x16xf32>,
      %swap3A_247 = arith.index_cast %add3A_241 : i32 to index
      %swap3A_248 = arith.constant 16 : index
      %swap3A_249 = tpu.vector_load %arg11[%swap3A_247, %swap3A_248] {strides = array<i32>} : memref<128x128xf32, #tpu.memory_space<vmem>>, vector<1x16xf32>,
      %swap3A_250 = vector.shape_cast %swap3A_249 : vector<1x16xf32> to vector<16xf32>
      %swap3A_251 = vector.shape_cast %broadcast_in_dim3A_1 : vector<16xf32> to vector<1x16xf32>
      tpu.vector_store %arg11[%swap3A_247, %swap3A_248], %swap3A_251 {strides = array<i32>} : memref<128x128xf32, #tpu.memory_space<vmem>>, vector<1x16xf32>,
      %swap3A_252 = arith.index_cast %add3A_241 : i32 to index
      %swap3A_253 = arith.constant 32 : index
      %swap3A_254 = tpu.vector_load %arg11[%swap3A_252, %swap3A_253] {strides = array<i32>} : memref<128x128xf32, #tpu.memory_space<vmem>>, vector<1x16xf32>,
      %swap3A_255 = vector.shape_cast %swap3A_254 : vector<1x16xf32> to vector<16xf32>
      %swap3A_256 = vector.shape_cast %broadcast_in_dim3A_1 : vector<16xf32> to vector<1x16xf32>
      tpu.vector_store %arg11[%swap3A_252, %swap3A_253], %swap3A_256 {strides = array<i32>} : memref<128x128xf32, #tpu.memory_space<vmem>>, vector<1x16xf32>,
      %swap3A_257 = arith.index_cast %add3A_241 : i32 to index
      %swap3A_258 = arith.constant 48 : index
      %swap3A_259 = tpu.vector_load %arg11[%swap3A_257, %swap3A_258] {strides = array<i32>} : memref<128x128xf32, #tpu.memory_space<vmem>>, vector<1x16xf32>,
      %swap3A_260 = vector.shape_cast %swap3A_259 : vector<1x16xf32> to vector<16xf32>
      %swap3A_261 = vector.shape_cast %broadcast_in_dim3A_1 : vector<16xf32> to vector<1x16xf32>
      tpu.vector_store %arg11[%swap3A_257, %swap3A_258], %swap3A_261 {strides = array<i32>} : memref<128x128xf32, #tpu.memory_space<vmem>>, vector<1x16xf32>,
      %swap3A_262 = arith.index_cast %add3A_241 : i32 to index
      %swap3A_263 = arith.constant 64 : index
      %swap3A_264 = tpu.vector_load %arg11[%swap3A_262, %swap3A_263] {strides = array<i32>} : memref<128x128xf32, #tpu.memory_space<vmem>>, vector<1x16xf32>,
      %swap3A_265 = vector.shape_cast %swap3A_264 : vector<1x16xf32> to vector<16xf32>
      %swap3A_266 = vector.shape_cast %broadcast_in_dim3A_1 : vector<16xf32> to vector<1x16xf32>
      tpu.vector_store %arg11[%swap3A_262, %swap3A_263], %swap3A_266 {strides = array<i32>} : memref<128x128xf32, #tpu.memory_space<vmem>>, vector<1x16xf32>,
      %swap3A_267 = arith.index_cast %add3A_241 : i32 to index
      %swap3A_268 = arith.constant 80 : index
      %swap3A_269 = tpu.vector_load %arg11[%swap3A_267, %swap3A_268] {strides = array<i32>} : memref<128x128xf32, #tpu.memory_space<vmem>>, vector<1x16xf32>,
      %swap3A_270 = vector.shape_cast %swap3A_269 : vector<1x16xf32> to vector<16xf32>
      %swap3A_271 = vector.shape_cast %broadcast_in_dim3A_1 : vector<16xf32> to vector<1x16xf32>
      tpu.vector_store %arg11[%swap3A_267, %swap3A_268], %swap3A_271 {strides = array<i32>} : memref<128x128xf32, #tpu.memory_space<vmem>>, vector<1x16xf32>,
      %swap3A_272 = arith.index_cast %add3A_241 : i32 to index
      %swap3A_273 = arith.constant 96 : index
      %swap3A_274 = tpu.vector_load %arg11[%swap3A_272, %swap3A_273] {strides = array<i32>} : memref<128x128xf32, #tpu.memory_space<vmem>>, vector<1x16xf32>,
      %swap3A_275 = vector.shape_cast %swap3A_274 : vector<1x16xf32> to vector<16xf32>
      %swap3A_276 = vector.shape_cast %broadcast_in_dim3A_1 : vector<16xf32> to vector<1x16xf32>
      tpu.vector_store %arg11[%swap3A_272, %swap3A_273], %swap3A_276 {strides = array<i32>} : memref<128x128xf32, #tpu.memory_space<vmem>>, vector<1x16xf32>,
      %swap3A_277 = arith.index_cast %add3A_241 : i32 to index
      %swap3A_278 = arith.constant 112 : index
      %swap3A_279 = tpu.vector_load %arg11[%swap3A_277, %swap3A_278] {strides = array<i32>} : memref<128x128xf32, #tpu.memory_space<vmem>>, vector<1x16xf32>,
      %swap3A_280 = vector.shape_cast %swap3A_279 : vector<1x16xf32> to vector<16xf32>
      %swap3A_281 = vector.shape_cast %broadcast_in_dim3A_1 : vector<16xf32> to vector<1x16xf32>
      tpu.vector_store %arg11[%swap3A_277, %swap3A_278], %swap3A_281 {strides = array<i32>} : memref<128x128xf32, #tpu.memory_space<vmem>>, vector<1x16xf32>,
    }
    %scan3A_7 = arith.constant 128 : i32
    %scan3A_8 = arith.constant 0 : i32
    %scan3A_9 = arith.constant 40 : i32
    %scan3A_10 = arith.addi %scan3A_8, %scan3A_9 : i32
    %scan3A_11 = arith.constant 1 : i32
    scf.for %scan3A_237 = %scan3A_8 to %scan3A_10 step %scan3A_11  : i32 {
      %mul3A_238 = arith.constant 1 : i32
      %mul3A_239 = arith.muli %scan3A_237, %mul3A_238 : i32
      %add3A_240 = arith.constant 0 : i32
      %add3A_241 = arith.addi %add3A_240, %mul3A_239 : i32
      %mul3A_242 = arith.constant 16 : i32
      %mul3A_243 = arith.muli %add3A_241, %mul3A_242 : i32
      %swap3A_244 = arith.index_cast %mul3A_243 : i32 to index
      %swap3A_245 = tpu.vector_load %arg14[%swap3A_244] {strides = array<i32>} : memref<640xf32, #tpu.memory_space<vmem>>, vector<16xf32>,
      %swap3A_246 = vector.shape_cast %swap3A_245 : vector<16xf32> to vector<16xf32>
      %swap3A_247 = vector.shape_cast %broadcast_in_dim3A_1 : vector<16xf32> to vector<16xf32>
      tpu.vector_store %arg14[%swap3A_244], %swap3A_247 {strides = array<i32>} : memref<640xf32, #tpu.memory_space<vmem>>, vector<16xf32>,
    }
    %scan3A_12 = arith.constant 40 : i32
    %swap3A = arith.constant 0 : index
    %swap3A_13 = tpu.vector_load %arg13[%swap3A] {strides = array<i32>} : memref<128xf32, #tpu.memory_space<vmem>>, vector<16xf32>,
    %swap3A_14 = vector.shape_cast %swap3A_13 : vector<16xf32> to vector<16xf32>
    %swap3A_15 = vector.shape_cast %broadcast_in_dim3A_3 : vector<16xf32> to vector<16xf32>
    tpu.vector_store %arg13[%swap3A], %swap3A_15 {strides = array<i32>} : memref<128xf32, #tpu.memory_space<vmem>>, vector<16xf32>,
    %swap3A_16 = arith.constant 16 : index
    %swap3A_17 = tpu.vector_load %arg13[%swap3A_16] {strides = array<i32>} : memref<128xf32, #tpu.memory_space<vmem>>, vector<16xf32>,
    %swap3A_18 = vector.shape_cast %swap3A_17 : vector<16xf32> to vector<16xf32>
    %swap3A_19 = vector.shape_cast %broadcast_in_dim3A_3 : vector<16xf32> to vector<16xf32>
    tpu.vector_store %arg13[%swap3A_16], %swap3A_19 {strides = array<i32>} : memref<128xf32, #tpu.memory_space<vmem>>, vector<16xf32>,
    %swap3A_20 = arith.constant 32 : index
    %swap3A_21 = tpu.vector_load %arg13[%swap3A_20] {strides = array<i32>} : memref<128xf32, #tpu.memory_space<vmem>>, vector<16xf32>,
    %swap3A_22 = vector.shape_cast %swap3A_21 : vector<16xf32> to vector<16xf32>
    %swap3A_23 = vector.shape_cast %broadcast_in_dim3A_3 : vector<16xf32> to vector<16xf32>
    tpu.vector_store %arg13[%swap3A_20], %swap3A_23 {strides = array<i32>} : memref<128xf32, #tpu.memory_space<vmem>>, vector<16xf32>,
    %swap3A_24 = arith.constant 48 : index
    %swap3A_25 = tpu.vector_load %arg13[%swap3A_24] {strides = array<i32>} : memref<128xf32, #tpu.memory_space<vmem>>, vector<16xf32>,
    %swap3A_26 = vector.shape_cast %swap3A_25 : vector<16xf32> to vector<16xf32>
    %swap3A_27 = vector.shape_cast %broadcast_in_dim3A_3 : vector<16xf32> to vector<16xf32>
    tpu.vector_store %arg13[%swap3A_24], %swap3A_27 {strides = array<i32>} : memref<128xf32, #tpu.memory_space<vmem>>, vector<16xf32>,
    %swap3A_28 = arith.constant 64 : index
    %swap3A_29 = tpu.vector_load %arg13[%swap3A_28] {strides = array<i32>} : memref<128xf32, #tpu.memory_space<vmem>>, vector<16xf32>,
    %swap3A_30 = vector.shape_cast %swap3A_29 : vector<16xf32> to vector<16xf32>
    %swap3A_31 = vector.shape_cast %broadcast_in_dim3A_3 : vector<16xf32> to vector<16xf32>
    tpu.vector_store %arg13[%swap3A_28], %swap3A_31 {strides = array<i32>} : memref<128xf32, #tpu.memory_space<vmem>>, vector<16xf32>,
    %swap3A_32 = arith.constant 80 : index
    %swap3A_33 = tpu.vector_load %arg13[%swap3A_32] {strides = array<i32>} : memref<128xf32, #tpu.memory_space<vmem>>, vector<16xf32>,
    %swap3A_34 = vector.shape_cast %swap3A_33 : vector<16xf32> to vector<16xf32>
    %swap3A_35 = vector.shape_cast %broadcast_in_dim3A_3 : vector<16xf32> to vector<16xf32>
    tpu.vector_store %arg13[%swap3A_32], %swap3A_35 {strides = array<i32>} : memref<128xf32, #tpu.memory_space<vmem>>, vector<16xf32>,
    %swap3A_36 = arith.constant 96 : index
    %swap3A_37 = tpu.vector_load %arg13[%swap3A_36] {strides = array<i32>} : memref<128xf32, #tpu.memory_space<vmem>>, vector<16xf32>,
    %swap3A_38 = vector.shape_cast %swap3A_37 : vector<16xf32> to vector<16xf32>
    %swap3A_39 = vector.shape_cast %broadcast_in_dim3A_3 : vector<16xf32> to vector<16xf32>
    tpu.vector_store %arg13[%swap3A_36], %swap3A_39 {strides = array<i32>} : memref<128xf32, #tpu.memory_space<vmem>>, vector<16xf32>,
    %swap3A_40 = arith.constant 112 : index
    %swap3A_41 = tpu.vector_load %arg13[%swap3A_40] {strides = array<i32>} : memref<128xf32, #tpu.memory_space<vmem>>, vector<16xf32>,
    %swap3A_42 = vector.shape_cast %swap3A_41 : vector<16xf32> to vector<16xf32>
    %swap3A_43 = vector.shape_cast %broadcast_in_dim3A_3 : vector<16xf32> to vector<16xf32>
    tpu.vector_store %arg13[%swap3A_40], %swap3A_43 {strides = array<i32>} : memref<128xf32, #tpu.memory_space<vmem>>, vector<16xf32>,
    %mul3A_44 = arith.constant 632 : i32
    %mul3A_45 = arith.muli %arg1, %mul3A_44 : i32
    %add3A_46 = arith.constant 0 : i32
    %add3A_47 = arith.addi %mul3A_45, %add3A_46 : i32
    "tpu.region"() ({
      %run_scoped3A_237 = tpu.sem_alloc : memref<!tpu.dma_semaphore, #tpu.memory_space<semaphore_mem>>
      %dma_start3A_238 = arith.constant 0 : i32
      %dma_start3A_239 = tpu.memref_slice %arg7[%add3A_47, %dma_start3A_238] : memref<10112x128xf32, #tpu.memory_space<vmem_shared>> -> memref<128x128xf32, #tpu.memory_space<vmem_shared>>
      %dma_start3A_240 = arith.constant 0 : i32
      %dma_start3A_241 = tpu.memref_slice %arg7[%add3A_47, %dma_start3A_240] : memref<10112x128xf32, #tpu.memory_space<vmem_shared>> -> memref<128x128xf32, #tpu.memory_space<vmem_shared>>
      tpu.enqueue_dma source(%arg11 : memref<128x128xf32, #tpu.memory_space<vmem>>) target(%dma_start3A_241 : memref<128x128xf32, #tpu.memory_space<vmem_shared>>) target_semaphore(%run_scoped3A_237 : memref<!tpu.dma_semaphore, #tpu.memory_space<semaphore_mem>>)
      %dma_wait3A_242 = arith.constant 0 : i32
      %dma_wait3A_243 = tpu.memref_slice %arg7[%add3A_47, %dma_wait3A_242] : memref<10112x128xf32, #tpu.memory_space<vmem_shared>> -> memref<128x128xf32, #tpu.memory_space<vmem_shared>>
      %dma_wait3A_244 = arith.constant 0 : i32
      %dma_wait3A_245 = tpu.memref_slice %arg7[%add3A_47, %dma_wait3A_244] : memref<10112x128xf32, #tpu.memory_space<vmem_shared>> -> memref<128x128xf32, #tpu.memory_space<vmem_shared>>
      tpu.wait_dma2 semaphore(%run_scoped3A_237 : memref<!tpu.dma_semaphore, #tpu.memory_space<semaphore_mem>>) src(%arg11 : memref<128x128xf32, #tpu.memory_space<vmem>>) dst(%dma_wait3A_245 : memref<128x128xf32, #tpu.memory_space<vmem_shared>>)
      tpu.yield
    }) : () -> ()
    %add3A_48 = arith.constant 128 : i32
    %add3A_49 = arith.addi %mul3A_45, %add3A_48 : i32
    "tpu.region"() ({
      %run_scoped3A_237 = tpu.sem_alloc : memref<!tpu.dma_semaphore, #tpu.memory_space<semaphore_mem>>
      %dma_start3A_238 = arith.constant 0 : i32
      %dma_start3A_239 = tpu.memref_slice %arg7[%add3A_49, %dma_start3A_238] : memref<10112x128xf32, #tpu.memory_space<vmem_shared>> -> memref<128x128xf32, #tpu.memory_space<vmem_shared>>
      %dma_start3A_240 = arith.constant 0 : i32
      %dma_start3A_241 = tpu.memref_slice %arg7[%add3A_49, %dma_start3A_240] : memref<10112x128xf32, #tpu.memory_space<vmem_shared>> -> memref<128x128xf32, #tpu.memory_space<vmem_shared>>
      tpu.enqueue_dma source(%arg11 : memref<128x128xf32, #tpu.memory_space<vmem>>) target(%dma_start3A_241 : memref<128x128xf32, #tpu.memory_space<vmem_shared>>) target_semaphore(%run_scoped3A_237 : memref<!tpu.dma_semaphore, #tpu.memory_space<semaphore_mem>>)
      %dma_wait3A_242 = arith.constant 0 : i32
      %dma_wait3A_243 = tpu.memref_slice %arg7[%add3A_49, %dma_wait3A_242] : memref<10112x128xf32, #tpu.memory_space<vmem_shared>> -> memref<128x128xf32, #tpu.memory_space<vmem_shared>>
      %dma_wait3A_244 = arith.constant 0 : i32
      %dma_wait3A_245 = tpu.memref_slice %arg7[%add3A_49, %dma_wait3A_244] : memref<10112x128xf32, #tpu.memory_space<vmem_shared>> -> memref<128x128xf32, #tpu.memory_space<vmem_shared>>
      tpu.wait_dma2 semaphore(%run_scoped3A_237 : memref<!tpu.dma_semaphore, #tpu.memory_space<semaphore_mem>>) src(%arg11 : memref<128x128xf32, #tpu.memory_space<vmem>>) dst(%dma_wait3A_245 : memref<128x128xf32, #tpu.memory_space<vmem_shared>>)
      tpu.yield
    }) : () -> ()
    %add3A_50 = arith.constant 256 : i32
    %add3A_51 = arith.addi %mul3A_45, %add3A_50 : i32
    "tpu.region"() ({
      %run_scoped3A_237 = tpu.sem_alloc : memref<!tpu.dma_semaphore, #tpu.memory_space<semaphore_mem>>
      %dma_start3A_238 = arith.constant 0 : i32
      %dma_start3A_239 = tpu.memref_slice %arg7[%add3A_51, %dma_start3A_238] : memref<10112x128xf32, #tpu.memory_space<vmem_shared>> -> memref<128x128xf32, #tpu.memory_space<vmem_shared>>
      %dma_start3A_240 = arith.constant 0 : i32
      %dma_start3A_241 = tpu.memref_slice %arg7[%add3A_51, %dma_start3A_240] : memref<10112x128xf32, #tpu.memory_space<vmem_shared>> -> memref<128x128xf32, #tpu.memory_space<vmem_shared>>
      tpu.enqueue_dma source(%arg11 : memref<128x128xf32, #tpu.memory_space<vmem>>) target(%dma_start3A_241 : memref<128x128xf32, #tpu.memory_space<vmem_shared>>) target_semaphore(%run_scoped3A_237 : memref<!tpu.dma_semaphore, #tpu.memory_space<semaphore_mem>>)
      %dma_wait3A_242 = arith.constant 0 : i32
      %dma_wait3A_243 = tpu.memref_slice %arg7[%add3A_51, %dma_wait3A_242] : memref<10112x128xf32, #tpu.memory_space<vmem_shared>> -> memref<128x128xf32, #tpu.memory_space<vmem_shared>>
      %dma_wait3A_244 = arith.constant 0 : i32
      %dma_wait3A_245 = tpu.memref_slice %arg7[%add3A_51, %dma_wait3A_244] : memref<10112x128xf32, #tpu.memory_space<vmem_shared>> -> memref<128x128xf32, #tpu.memory_space<vmem_shared>>
      tpu.wait_dma2 semaphore(%run_scoped3A_237 : memref<!tpu.dma_semaphore, #tpu.memory_space<semaphore_mem>>) src(%arg11 : memref<128x128xf32, #tpu.memory_space<vmem>>) dst(%dma_wait3A_245 : memref<128x128xf32, #tpu.memory_space<vmem_shared>>)
      tpu.yield
    }) : () -> ()
    %add3A_52 = arith.constant 384 : i32
    %add3A_53 = arith.addi %mul3A_45, %add3A_52 : i32
    "tpu.region"() ({
      %run_scoped3A_237 = tpu.sem_alloc : memref<!tpu.dma_semaphore, #tpu.memory_space<semaphore_mem>>
      %dma_start3A_238 = arith.constant 0 : i32
      %dma_start3A_239 = tpu.memref_slice %arg7[%add3A_53, %dma_start3A_238] : memref<10112x128xf32, #tpu.memory_space<vmem_shared>> -> memref<128x128xf32, #tpu.memory_space<vmem_shared>>
      %dma_start3A_240 = arith.constant 0 : i32
      %dma_start3A_241 = tpu.memref_slice %arg7[%add3A_53, %dma_start3A_240] : memref<10112x128xf32, #tpu.memory_space<vmem_shared>> -> memref<128x128xf32, #tpu.memory_space<vmem_shared>>
      tpu.enqueue_dma source(%arg11 : memref<128x128xf32, #tpu.memory_space<vmem>>) target(%dma_start3A_241 : memref<128x128xf32, #tpu.memory_space<vmem_shared>>) target_semaphore(%run_scoped3A_237 : memref<!tpu.dma_semaphore, #tpu.memory_space<semaphore_mem>>)
      %dma_wait3A_242 = arith.constant 0 : i32
      %dma_wait3A_243 = tpu.memref_slice %arg7[%add3A_53, %dma_wait3A_242] : memref<10112x128xf32, #tpu.memory_space<vmem_shared>> -> memref<128x128xf32, #tpu.memory_space<vmem_shared>>
      %dma_wait3A_244 = arith.constant 0 : i32
      %dma_wait3A_245 = tpu.memref_slice %arg7[%add3A_53, %dma_wait3A_244] : memref<10112x128xf32, #tpu.memory_space<vmem_shared>> -> memref<128x128xf32, #tpu.memory_space<vmem_shared>>
      tpu.wait_dma2 semaphore(%run_scoped3A_237 : memref<!tpu.dma_semaphore, #tpu.memory_space<semaphore_mem>>) src(%arg11 : memref<128x128xf32, #tpu.memory_space<vmem>>) dst(%dma_wait3A_245 : memref<128x128xf32, #tpu.memory_space<vmem_shared>>)
      tpu.yield
    }) : () -> ()
    %add3A_54 = arith.constant 512 : i32
    %add3A_55 = arith.addi %mul3A_45, %add3A_54 : i32
    "tpu.region"() ({
      %run_scoped3A_237 = tpu.sem_alloc : memref<!tpu.dma_semaphore, #tpu.memory_space<semaphore_mem>>
      %dma_start3A_238 = arith.constant 0 : i32
      %dma_start3A_239 = arith.constant 0 : i32
      %dma_start3A_240 = tpu.memref_slice %arg11[%dma_start3A_238, %dma_start3A_239] : memref<128x128xf32, #tpu.memory_space<vmem>> -> memref<120x128xf32, #tpu.memory_space<vmem>>
      %dma_start3A_241 = arith.constant 0 : i32
      %dma_start3A_242 = tpu.memref_slice %arg7[%add3A_55, %dma_start3A_241] : memref<10112x128xf32, #tpu.memory_space<vmem_shared>> -> memref<120x128xf32, #tpu.memory_space<vmem_shared>>
      %dma_start3A_243 = arith.constant 0 : i32
      %dma_start3A_244 = tpu.memref_slice %arg7[%add3A_55, %dma_start3A_243] : memref<10112x128xf32, #tpu.memory_space<vmem_shared>> -> memref<120x128xf32, #tpu.memory_space<vmem_shared>>
      %dma_start3A_245 = arith.constant 0 : i32
      %dma_start3A_246 = arith.constant 0 : i32
      %dma_start3A_247 = tpu.memref_slice %arg11[%dma_start3A_245, %dma_start3A_246] : memref<128x128xf32, #tpu.memory_space<vmem>> -> memref<120x128xf32, #tpu.memory_space<vmem>>
      tpu.enqueue_dma source(%dma_start3A_247 : memref<120x128xf32, #tpu.memory_space<vmem>>) target(%dma_start3A_244 : memref<120x128xf32, #tpu.memory_space<vmem_shared>>) target_semaphore(%run_scoped3A_237 : memref<!tpu.dma_semaphore, #tpu.memory_space<semaphore_mem>>)
      %dma_wait3A_248 = arith.constant 0 : i32
      %dma_wait3A_249 = arith.constant 0 : i32
      %dma_wait3A_250 = tpu.memref_slice %arg11[%dma_wait3A_248, %dma_wait3A_249] : memref<128x128xf32, #tpu.memory_space<vmem>> -> memref<120x128xf32, #tpu.memory_space<vmem>>
      %dma_wait3A_251 = arith.constant 0 : i32
      %dma_wait3A_252 = tpu.memref_slice %arg7[%add3A_55, %dma_wait3A_251] : memref<10112x128xf32, #tpu.memory_space<vmem_shared>> -> memref<120x128xf32, #tpu.memory_space<vmem_shared>>
      %dma_wait3A_253 = arith.constant 0 : i32
      %dma_wait3A_254 = tpu.memref_slice %arg7[%add3A_55, %dma_wait3A_253] : memref<10112x128xf32, #tpu.memory_space<vmem_shared>> -> memref<120x128xf32, #tpu.memory_space<vmem_shared>>
      %dma_wait3A_255 = arith.constant 0 : i32
      %dma_wait3A_256 = arith.constant 0 : i32
      %dma_wait3A_257 = tpu.memref_slice %arg11[%dma_wait3A_255, %dma_wait3A_256] : memref<128x128xf32, #tpu.memory_space<vmem>> -> memref<120x128xf32, #tpu.memory_space<vmem>>
      tpu.wait_dma2 semaphore(%run_scoped3A_237 : memref<!tpu.dma_semaphore, #tpu.memory_space<semaphore_mem>>) src(%dma_wait3A_257 : memref<120x128xf32, #tpu.memory_space<vmem>>) dst(%dma_wait3A_254 : memref<120x128xf32, #tpu.memory_space<vmem_shared>>)
      tpu.yield
    }) : () -> ()
    %mul3A_56 = arith.constant 640 : i32
    %mul3A_57 = arith.muli %arg1, %mul3A_56 : i32
    "tpu.region"() ({
      %run_scoped3A_237 = tpu.sem_alloc : memref<!tpu.dma_semaphore, #tpu.memory_space<semaphore_mem>>
      %dma_start3A_238 = tpu.memref_slice %arg8[%mul3A_57] : memref<10240xf32, #tpu.memory_space<vmem_shared>> -> memref<640xf32, #tpu.memory_space<vmem_shared>>
      %dma_start3A_239 = tpu.memref_slice %arg8[%mul3A_57] : memref<10240xf32, #tpu.memory_space<vmem_shared>> -> memref<640xf32, #tpu.memory_space<vmem_shared>>
      tpu.enqueue_dma source(%arg14 : memref<640xf32, #tpu.memory_space<vmem>>) target(%dma_start3A_239 : memref<640xf32, #tpu.memory_space<vmem_shared>>) target_semaphore(%run_scoped3A_237 : memref<!tpu.dma_semaphore, #tpu.memory_space<semaphore_mem>>)
      %dma_wait3A_240 = tpu.memref_slice %arg8[%mul3A_57] : memref<10240xf32, #tpu.memory_space<vmem_shared>> -> memref<640xf32, #tpu.memory_space<vmem_shared>>
      %dma_wait3A_241 = tpu.memref_slice %arg8[%mul3A_57] : memref<10240xf32, #tpu.memory_space<vmem_shared>> -> memref<640xf32, #tpu.memory_space<vmem_shared>>
      tpu.wait_dma2 semaphore(%run_scoped3A_237 : memref<!tpu.dma_semaphore, #tpu.memory_space<semaphore_mem>>) src(%arg14 : memref<640xf32, #tpu.memory_space<vmem>>) dst(%dma_wait3A_241 : memref<640xf32, #tpu.memory_space<vmem_shared>>)
      tpu.yield
    }) : () -> ()
    %barrier3A = arith.constant 0 : index
    tpu.barrier barrier_id(%barrier3A)
    "tpu.region"() ({
      %run_scoped3A_237 = tpu.sem_alloc : memref<!tpu.dma_semaphore, #tpu.memory_space<semaphore_mem>>
      %dma_start3A_238 = arith.constant 0 : i32
      %dma_start3A_239 = arith.constant 0 : i32
      %dma_start3A_240 = tpu.memref_slice %arg3[%add3A, %dma_start3A_238, %dma_start3A_239] : memref<32x80x128xi32, #tpu.memory_space<hbm>> -> memref<1x40x128xi32, #tpu.memory_space<hbm>>
      %dma_start3A_241 = tpu.memref_squeeze %dma_start3A_240 : memref<1x40x128xi32, #tpu.memory_space<hbm>> -> memref<40x128xi32, #tpu.memory_space<hbm>>
      %dma_start3A_242 = arith.constant 0 : i32
      %dma_start3A_243 = arith.constant 0 : i32
      %dma_start3A_244 = tpu.memref_slice %arg3[%add3A, %dma_start3A_242, %dma_start3A_243] : memref<32x80x128xi32, #tpu.memory_space<hbm>> -> memref<1x40x128xi32, #tpu.memory_space<hbm>>
      %dma_start3A_245 = tpu.memref_squeeze %dma_start3A_244 : memref<1x40x128xi32, #tpu.memory_space<hbm>> -> memref<40x128xi32, #tpu.memory_space<hbm>>
      tpu.enqueue_dma source(%dma_start3A_245 : memref<40x128xi32, #tpu.memory_space<hbm>>) target(%arg9 : memref<40x128xi32, #tpu.memory_space<vmem>>) target_semaphore(%run_scoped3A_237 : memref<!tpu.dma_semaphore, #tpu.memory_space<semaphore_mem>>)
      %dma_wait3A_246 = arith.constant 0 : i32
      %dma_wait3A_247 = arith.constant 0 : i32
      %dma_wait3A_248 = tpu.memref_slice %arg3[%add3A, %dma_wait3A_246, %dma_wait3A_247] : memref<32x80x128xi32, #tpu.memory_space<hbm>> -> memref<1x40x128xi32, #tpu.memory_space<hbm>>
      %dma_wait3A_249 = tpu.memref_squeeze %dma_wait3A_248 : memref<1x40x128xi32, #tpu.memory_space<hbm>> -> memref<40x128xi32, #tpu.memory_space<hbm>>
      %dma_wait3A_250 = arith.constant 0 : i32
      %dma_wait3A_251 = arith.constant 0 : i32
      %dma_wait3A_252 = tpu.memref_slice %arg3[%add3A, %dma_wait3A_250, %dma_wait3A_251] : memref<32x80x128xi32, #tpu.memory_space<hbm>> -> memref<1x40x128xi32, #tpu.memory_space<hbm>>
      %dma_wait3A_253 = tpu.memref_squeeze %dma_wait3A_252 : memref<1x40x128xi32, #tpu.memory_space<hbm>> -> memref<40x128xi32, #tpu.memory_space<hbm>>
      tpu.wait_dma2 semaphore(%run_scoped3A_237 : memref<!tpu.dma_semaphore, #tpu.memory_space<semaphore_mem>>) src(%dma_wait3A_253 : memref<40x128xi32, #tpu.memory_space<hbm>>) dst(%arg9 : memref<40x128xi32, #tpu.memory_space<vmem>>)
      tpu.yield
    }) : () -> ()
    "tpu.region"() ({
      %run_scoped3A_237 = tpu.sem_alloc : memref<!tpu.dma_semaphore, #tpu.memory_space<semaphore_mem>>
      %dma_start3A_238 = arith.constant 0 : i32
      %dma_start3A_239 = arith.constant 0 : i32
      %dma_start3A_240 = tpu.memref_slice %arg4[%add3A, %dma_start3A_238, %dma_start3A_239] : memref<32x80x128xi32, #tpu.memory_space<hbm>> -> memref<1x40x128xi32, #tpu.memory_space<hbm>>
      %dma_start3A_241 = tpu.memref_squeeze %dma_start3A_240 : memref<1x40x128xi32, #tpu.memory_space<hbm>> -> memref<40x128xi32, #tpu.memory_space<hbm>>
      %dma_start3A_242 = arith.constant 0 : i32
      %dma_start3A_243 = arith.constant 0 : i32
      %dma_start3A_244 = tpu.memref_slice %arg4[%add3A, %dma_start3A_242, %dma_start3A_243] : memref<32x80x128xi32, #tpu.memory_space<hbm>> -> memref<1x40x128xi32, #tpu.memory_space<hbm>>
      %dma_start3A_245 = tpu.memref_squeeze %dma_start3A_244 : memref<1x40x128xi32, #tpu.memory_space<hbm>> -> memref<40x128xi32, #tpu.memory_space<hbm>>
      tpu.enqueue_dma source(%dma_start3A_245 : memref<40x128xi32, #tpu.memory_space<hbm>>) target(%arg10 : memref<40x128xi32, #tpu.memory_space<vmem>>) target_semaphore(%run_scoped3A_237 : memref<!tpu.dma_semaphore, #tpu.memory_space<semaphore_mem>>)
      %dma_wait3A_246 = arith.constant 0 : i32
      %dma_wait3A_247 = arith.constant 0 : i32
      %dma_wait3A_248 = tpu.memref_slice %arg4[%add3A, %dma_wait3A_246, %dma_wait3A_247] : memref<32x80x128xi32, #tpu.memory_space<hbm>> -> memref<1x40x128xi32, #tpu.memory_space<hbm>>
      %dma_wait3A_249 = tpu.memref_squeeze %dma_wait3A_248 : memref<1x40x128xi32, #tpu.memory_space<hbm>> -> memref<40x128xi32, #tpu.memory_space<hbm>>
      %dma_wait3A_250 = arith.constant 0 : i32
      %dma_wait3A_251 = arith.constant 0 : i32
      %dma_wait3A_252 = tpu.memref_slice %arg4[%add3A, %dma_wait3A_250, %dma_wait3A_251] : memref<32x80x128xi32, #tpu.memory_space<hbm>> -> memref<1x40x128xi32, #tpu.memory_space<hbm>>
      %dma_wait3A_253 = tpu.memref_squeeze %dma_wait3A_252 : memref<1x40x128xi32, #tpu.memory_space<hbm>> -> memref<40x128xi32, #tpu.memory_space<hbm>>
      tpu.wait_dma2 semaphore(%run_scoped3A_237 : memref<!tpu.dma_semaphore, #tpu.memory_space<semaphore_mem>>) src(%dma_wait3A_253 : memref<40x128xi32, #tpu.memory_space<hbm>>) dst(%arg10 : memref<40x128xi32, #tpu.memory_space<vmem>>)
      tpu.yield
    }) : () -> ()
    %dma_start3A = arith.constant 0 : i32
    %dma_start3A_58 = arith.constant 0 : i32
    %dma_start3A_59 = tpu.memref_slice %arg9[%dma_start3A, %dma_start3A_58] : memref<40x128xi32, #tpu.memory_space<vmem>> -> memref<1x128xi32, #tpu.memory_space<vmem>>
    %dma_start3A_60 = tpu.memref_squeeze %dma_start3A_59 : memref<1x128xi32, #tpu.memory_space<vmem>> -> memref<128xi32, #tpu.memory_space<vmem>>
    %dma_start3A_61 = arith.constant 0 : i32
    %dma_start3A_62 = arith.constant 0 : i32
    %dma_start3A_63 = tpu.memref_slice %arg2[%dma_start3A_61, %dma_start3A_62] : memref<10000x128xf32, #tpu.memory_space<hbm>> -> memref<10000x128xf32, #tpu.memory_space<hbm>>
    tpu.enqueue_indirect_dma source(%dma_start3A_63 : memref<10000x128xf32, #tpu.memory_space<hbm>>) target(%arg11 : memref<128x128xf32, #tpu.memory_space<vmem>>) offsets(%dma_start3A_60 : memref<128xi32, #tpu.memory_space<vmem>>) semaphore(%arg15 : memref<!tpu.dma_semaphore, #tpu.memory_space<semaphore_mem>>)
    %scan3A_64 = arith.constant 0 : i32
    %scan3A_65 = arith.constant 19 : i32
    %scan3A_66 = arith.addi %scan3A_64, %scan3A_65 : i32
    %scan3A_67 = arith.constant 1 : i32
    scf.for %scan3A_237 = %scan3A_64 to %scan3A_66 step %scan3A_67  : i32 {
      %mul3A_238 = arith.constant 1 : i32
      %mul3A_239 = arith.muli %scan3A_237, %mul3A_238 : i32
      %add3A_240 = arith.constant 0 : i32
      %add3A_241 = arith.addi %add3A_240, %mul3A_239 : i32
      %mul3A_242 = arith.constant 2 : i32
      %mul3A_243 = arith.muli %mul3A_242, %add3A_241 : i32
      %dma_wait3A_244 = arith.constant 0 : i32
      %dma_wait3A_245 = tpu.memref_slice %arg9[%mul3A_243, %dma_wait3A_244] : memref<40x128xi32, #tpu.memory_space<vmem>> -> memref<1x128xi32, #tpu.memory_space<vmem>>
      %dma_wait3A_246 = tpu.memref_squeeze %dma_wait3A_245 : memref<1x128xi32, #tpu.memory_space<vmem>> -> memref<128xi32, #tpu.memory_space<vmem>>
      %dma_wait3A_247 = arith.constant 0 : i32
      %dma_wait3A_248 = arith.constant 0 : i32
      %dma_wait3A_249 = tpu.memref_slice %arg2[%dma_wait3A_247, %dma_wait3A_248] : memref<10000x128xf32, #tpu.memory_space<hbm>> -> memref<10000x128xf32, #tpu.memory_space<hbm>>
      tpu.wait_indirect_dma semaphore(%arg15 : memref<!tpu.dma_semaphore, #tpu.memory_space<semaphore_mem>>) src(%dma_wait3A_249 : memref<10000x128xf32, #tpu.memory_space<hbm>>) dst(%arg11 : memref<128x128xf32, #tpu.memory_space<vmem>>)
      %add3A_250 = arith.constant 1 : i32
      %add3A_251 = arith.addi %mul3A_243, %add3A_250 : i32
      %dma_start3A_252 = arith.constant 0 : i32
      %dma_start3A_253 = tpu.memref_slice %arg9[%add3A_251, %dma_start3A_252] : memref<40x128xi32, #tpu.memory_space<vmem>> -> memref<1x128xi32, #tpu.memory_space<vmem>>
      %dma_start3A_254 = tpu.memref_squeeze %dma_start3A_253 : memref<1x128xi32, #tpu.memory_space<vmem>> -> memref<128xi32, #tpu.memory_space<vmem>>
      %dma_start3A_255 = arith.constant 0 : i32
      %dma_start3A_256 = arith.constant 0 : i32
      %dma_start3A_257 = tpu.memref_slice %arg2[%dma_start3A_255, %dma_start3A_256] : memref<10000x128xf32, #tpu.memory_space<hbm>> -> memref<10000x128xf32, #tpu.memory_space<hbm>>
      tpu.enqueue_indirect_dma source(%dma_start3A_257 : memref<10000x128xf32, #tpu.memory_space<hbm>>) target(%arg12 : memref<128x128xf32, #tpu.memory_space<vmem>>) offsets(%dma_start3A_254 : memref<128xi32, #tpu.memory_space<vmem>>) semaphore(%arg16 : memref<!tpu.dma_semaphore, #tpu.memory_space<semaphore_mem>>)
      "tpu.region"() ({
        %run_scoped3A_288 = tpu.sem_alloc : memref<!tpu.dma_semaphore, #tpu.memory_space<semaphore_mem>>
        %dma_start3A_289 = arith.constant 0 : i32
        %dma_start3A_290 = tpu.memref_slice %arg10[%mul3A_243, %dma_start3A_289] : memref<40x128xi32, #tpu.memory_space<vmem>> -> memref<1x128xi32, #tpu.memory_space<vmem>>
        %dma_start3A_291 = tpu.memref_squeeze %dma_start3A_290 : memref<1x128xi32, #tpu.memory_space<vmem>> -> memref<128xi32, #tpu.memory_space<vmem>>
        %dma_start3A_292 = arith.constant 0 : i32
        %dma_start3A_293 = arith.constant 0 : i32
        %dma_start3A_294 = tpu.memref_slice %arg7[%dma_start3A_292, %dma_start3A_293] : memref<10112x128xf32, #tpu.memory_space<vmem_shared>> -> memref<10112x128xf32, #tpu.memory_space<vmem_shared>>
        tpu.enqueue_indirect_dma source(%arg11 : memref<128x128xf32, #tpu.memory_space<vmem>>) target(%dma_start3A_294 : memref<10112x128xf32, #tpu.memory_space<vmem_shared>>) offsets(%dma_start3A_291 : memref<128xi32, #tpu.memory_space<vmem>>) semaphore(%run_scoped3A_288 : memref<!tpu.dma_semaphore, #tpu.memory_space<semaphore_mem>>) {add = true}
        %dma_wait3A_295 = arith.constant 0 : i32
        %dma_wait3A_296 = tpu.memref_slice %arg10[%mul3A_243, %dma_wait3A_295] : memref<40x128xi32, #tpu.memory_space<vmem>> -> memref<1x128xi32, #tpu.memory_space<vmem>>
        %dma_wait3A_297 = tpu.memref_squeeze %dma_wait3A_296 : memref<1x128xi32, #tpu.memory_space<vmem>> -> memref<128xi32, #tpu.memory_space<vmem>>
        %dma_wait3A_298 = arith.constant 0 : i32
        %dma_wait3A_299 = arith.constant 0 : i32
        %dma_wait3A_300 = tpu.memref_slice %arg7[%dma_wait3A_298, %dma_wait3A_299] : memref<10112x128xf32, #tpu.memory_space<vmem_shared>> -> memref<10112x128xf32, #tpu.memory_space<vmem_shared>>
        tpu.wait_indirect_dma semaphore(%run_scoped3A_288 : memref<!tpu.dma_semaphore, #tpu.memory_space<semaphore_mem>>) src(%arg11 : memref<128x128xf32, #tpu.memory_space<vmem>>) dst(%dma_wait3A_300 : memref<10112x128xf32, #tpu.memory_space<vmem_shared>>)
        tpu.yield
      }) : () -> ()
      %dma_start3A_258 = arith.constant 0 : i32
      %dma_start3A_259 = tpu.memref_slice %arg10[%mul3A_243, %dma_start3A_258] : memref<40x128xi32, #tpu.memory_space<vmem>> -> memref<1x128xi32, #tpu.memory_space<vmem>>
      %dma_start3A_260 = tpu.memref_squeeze %dma_start3A_259 : memref<1x128xi32, #tpu.memory_space<vmem>> -> memref<128xi32, #tpu.memory_space<vmem>>
      %dma_start3A_261 = arith.constant 0 : i32
      %dma_start3A_262 = tpu.memref_slice %arg8[%dma_start3A_261] : memref<10240xf32, #tpu.memory_space<vmem_shared>> -> memref<10240xf32, #tpu.memory_space<vmem_shared>>
      tpu.enqueue_indirect_dma source(%arg13 : memref<128xf32, #tpu.memory_space<vmem>>) target(%dma_start3A_262 : memref<10240xf32, #tpu.memory_space<vmem_shared>>) offsets(%dma_start3A_260 : memref<128xi32, #tpu.memory_space<vmem>>) semaphore(%arg17 : memref<!tpu.dma_semaphore, #tpu.memory_space<semaphore_mem>>) {add = true}
      %add3A_263 = arith.constant 1 : i32
      %add3A_264 = arith.addi %mul3A_243, %add3A_263 : i32
      %dma_wait3A_265 = arith.constant 0 : i32
      %dma_wait3A_266 = tpu.memref_slice %arg9[%add3A_264, %dma_wait3A_265] : memref<40x128xi32, #tpu.memory_space<vmem>> -> memref<1x128xi32, #tpu.memory_space<vmem>>
      %dma_wait3A_267 = tpu.memref_squeeze %dma_wait3A_266 : memref<1x128xi32, #tpu.memory_space<vmem>> -> memref<128xi32, #tpu.memory_space<vmem>>
      %dma_wait3A_268 = arith.constant 0 : i32
      %dma_wait3A_269 = arith.constant 0 : i32
      %dma_wait3A_270 = tpu.memref_slice %arg2[%dma_wait3A_268, %dma_wait3A_269] : memref<10000x128xf32, #tpu.memory_space<hbm>> -> memref<10000x128xf32, #tpu.memory_space<hbm>>
      tpu.wait_indirect_dma semaphore(%arg16 : memref<!tpu.dma_semaphore, #tpu.memory_space<semaphore_mem>>) src(%dma_wait3A_270 : memref<10000x128xf32, #tpu.memory_space<hbm>>) dst(%arg12 : memref<128x128xf32, #tpu.memory_space<vmem>>)
      %add3A_271 = arith.constant 2 : i32
      %add3A_272 = arith.addi %mul3A_243, %add3A_271 : i32
      %dma_start3A_273 = arith.constant 0 : i32
      %dma_start3A_274 = tpu.memref_slice %arg9[%add3A_272, %dma_start3A_273] : memref<40x128xi32, #tpu.memory_space<vmem>> -> memref<1x128xi32, #tpu.memory_space<vmem>>
      %dma_start3A_275 = tpu.memref_squeeze %dma_start3A_274 : memref<1x128xi32, #tpu.memory_space<vmem>> -> memref<128xi32, #tpu.memory_space<vmem>>
      %dma_start3A_276 = arith.constant 0 : i32
      %dma_start3A_277 = arith.constant 0 : i32
      %dma_start3A_278 = tpu.memref_slice %arg2[%dma_start3A_276, %dma_start3A_277] : memref<10000x128xf32, #tpu.memory_space<hbm>> -> memref<10000x128xf32, #tpu.memory_space<hbm>>
      tpu.enqueue_indirect_dma source(%dma_start3A_278 : memref<10000x128xf32, #tpu.memory_space<hbm>>) target(%arg11 : memref<128x128xf32, #tpu.memory_space<vmem>>) offsets(%dma_start3A_275 : memref<128xi32, #tpu.memory_space<vmem>>) semaphore(%arg15 : memref<!tpu.dma_semaphore, #tpu.memory_space<semaphore_mem>>)
      %add3A_279 = arith.constant 1 : i32
      %add3A_280 = arith.addi %mul3A_243, %add3A_279 : i32
      "tpu.region"() ({
        %run_scoped3A_288 = tpu.sem_alloc : memref<!tpu.dma_semaphore, #tpu.memory_space<semaphore_mem>>
        %dma_start3A_289 = arith.constant 0 : i32
        %dma_start3A_290 = tpu.memref_slice %arg10[%add3A_280, %dma_start3A_289] : memref<40x128xi32, #tpu.memory_space<vmem>> -> memref<1x128xi32, #tpu.memory_space<vmem>>
        %dma_start3A_291 = tpu.memref_squeeze %dma_start3A_290 : memref<1x128xi32, #tpu.memory_space<vmem>> -> memref<128xi32, #tpu.memory_space<vmem>>
        %dma_start3A_292 = arith.constant 0 : i32
        %dma_start3A_293 = arith.constant 0 : i32
        %dma_start3A_294 = tpu.memref_slice %arg7[%dma_start3A_292, %dma_start3A_293] : memref<10112x128xf32, #tpu.memory_space<vmem_shared>> -> memref<10112x128xf32, #tpu.memory_space<vmem_shared>>
        tpu.enqueue_indirect_dma source(%arg12 : memref<128x128xf32, #tpu.memory_space<vmem>>) target(%dma_start3A_294 : memref<10112x128xf32, #tpu.memory_space<vmem_shared>>) offsets(%dma_start3A_291 : memref<128xi32, #tpu.memory_space<vmem>>) semaphore(%run_scoped3A_288 : memref<!tpu.dma_semaphore, #tpu.memory_space<semaphore_mem>>) {add = true}
        %dma_wait3A_295 = arith.constant 0 : i32
        %dma_wait3A_296 = tpu.memref_slice %arg10[%add3A_280, %dma_wait3A_295] : memref<40x128xi32, #tpu.memory_space<vmem>> -> memref<1x128xi32, #tpu.memory_space<vmem>>
        %dma_wait3A_297 = tpu.memref_squeeze %dma_wait3A_296 : memref<1x128xi32, #tpu.memory_space<vmem>> -> memref<128xi32, #tpu.memory_space<vmem>>
        %dma_wait3A_298 = arith.constant 0 : i32
        %dma_wait3A_299 = arith.constant 0 : i32
        %dma_wait3A_300 = tpu.memref_slice %arg7[%dma_wait3A_298, %dma_wait3A_299] : memref<10112x128xf32, #tpu.memory_space<vmem_shared>> -> memref<10112x128xf32, #tpu.memory_space<vmem_shared>>
        tpu.wait_indirect_dma semaphore(%run_scoped3A_288 : memref<!tpu.dma_semaphore, #tpu.memory_space<semaphore_mem>>) src(%arg12 : memref<128x128xf32, #tpu.memory_space<vmem>>) dst(%dma_wait3A_300 : memref<10112x128xf32, #tpu.memory_space<vmem_shared>>)
        tpu.yield
      }) : () -> ()
      %add3A_281 = arith.constant 1 : i32
      %add3A_282 = arith.addi %mul3A_243, %add3A_281 : i32
      %dma_start3A_283 = arith.constant 0 : i32
      %dma_start3A_284 = tpu.memref_slice %arg10[%add3A_282, %dma_start3A_283] : memref<40x128xi32, #tpu.memory_space<vmem>> -> memref<1x128xi32, #tpu.memory_space<vmem>>
      %dma_start3A_285 = tpu.memref_squeeze %dma_start3A_284 : memref<1x128xi32, #tpu.memory_space<vmem>> -> memref<128xi32, #tpu.memory_space<vmem>>
      %dma_start3A_286 = arith.constant 0 : i32
      %dma_start3A_287 = tpu.memref_slice %arg8[%dma_start3A_286] : memref<10240xf32, #tpu.memory_space<vmem_shared>> -> memref<10240xf32, #tpu.memory_space<vmem_shared>>
      tpu.enqueue_indirect_dma source(%arg13 : memref<128xf32, #tpu.memory_space<vmem>>) target(%dma_start3A_287 : memref<10240xf32, #tpu.memory_space<vmem_shared>>) offsets(%dma_start3A_285 : memref<128xi32, #tpu.memory_space<vmem>>) semaphore(%arg17 : memref<!tpu.dma_semaphore, #tpu.memory_space<semaphore_mem>>) {add = true}
    }
    %scan3A_68 = arith.constant 19 : i32
    %dma_wait3A = arith.constant 38 : i32
    %dma_wait3A_69 = arith.constant 0 : i32
    %dma_wait3A_70 = tpu.memref_slice %arg9[%dma_wait3A, %dma_wait3A_69] : memref<40x128xi32, #tpu.memory_space<vmem>> -> memref<1x128xi32, #tpu.memory_space<vmem>>
    %dma_wait3A_71 = tpu.memref_squeeze %dma_wait3A_70 : memref<1x128xi32, #tpu.memory_space<vmem>> -> memref<128xi32, #tpu.memory_space<vmem>>
    %dma_wait3A_72 = arith.constant 0 : i32
    %dma_wait3A_73 = arith.constant 0 : i32
    %dma_wait3A_74 = tpu.memref_slice %arg2[%dma_wait3A_72, %dma_wait3A_73] : memref<10000x128xf32, #tpu.memory_space<hbm>> -> memref<10000x128xf32, #tpu.memory_space<hbm>>
    tpu.wait_indirect_dma semaphore(%arg15 : memref<!tpu.dma_semaphore, #tpu.memory_space<semaphore_mem>>) src(%dma_wait3A_74 : memref<10000x128xf32, #tpu.memory_space<hbm>>) dst(%arg11 : memref<128x128xf32, #tpu.memory_space<vmem>>)
    %dma_start3A_75 = arith.constant 39 : i32
    %dma_start3A_76 = arith.constant 0 : i32
    %dma_start3A_77 = tpu.memref_slice %arg9[%dma_start3A_75, %dma_start3A_76] : memref<40x128xi32, #tpu.memory_space<vmem>> -> memref<1x128xi32, #tpu.memory_space<vmem>>
    %dma_start3A_78 = tpu.memref_squeeze %dma_start3A_77 : memref<1x128xi32, #tpu.memory_space<vmem>> -> memref<128xi32, #tpu.memory_space<vmem>>
    %dma_start3A_79 = arith.constant 0 : i32
    %dma_start3A_80 = arith.constant 0 : i32
    %dma_start3A_81 = tpu.memref_slice %arg2[%dma_start3A_79, %dma_start3A_80] : memref<10000x128xf32, #tpu.memory_space<hbm>> -> memref<10000x128xf32, #tpu.memory_space<hbm>>
    tpu.enqueue_indirect_dma source(%dma_start3A_81 : memref<10000x128xf32, #tpu.memory_space<hbm>>) target(%arg12 : memref<128x128xf32, #tpu.memory_space<vmem>>) offsets(%dma_start3A_78 : memref<128xi32, #tpu.memory_space<vmem>>) semaphore(%arg16 : memref<!tpu.dma_semaphore, #tpu.memory_space<semaphore_mem>>)
    %run_scoped3A = arith.constant 38 : i32
    "tpu.region"() ({
      %run_scoped3A_237 = tpu.sem_alloc : memref<!tpu.dma_semaphore, #tpu.memory_space<semaphore_mem>>
      %dma_start3A_238 = arith.constant 0 : i32
      %dma_start3A_239 = tpu.memref_slice %arg10[%run_scoped3A, %dma_start3A_238] : memref<40x128xi32, #tpu.memory_space<vmem>> -> memref<1x128xi32, #tpu.memory_space<vmem>>
      %dma_start3A_240 = tpu.memref_squeeze %dma_start3A_239 : memref<1x128xi32, #tpu.memory_space<vmem>> -> memref<128xi32, #tpu.memory_space<vmem>>
      %dma_start3A_241 = arith.constant 0 : i32
      %dma_start3A_242 = arith.constant 0 : i32
      %dma_start3A_243 = tpu.memref_slice %arg7[%dma_start3A_241, %dma_start3A_242] : memref<10112x128xf32, #tpu.memory_space<vmem_shared>> -> memref<10112x128xf32, #tpu.memory_space<vmem_shared>>
      tpu.enqueue_indirect_dma source(%arg11 : memref<128x128xf32, #tpu.memory_space<vmem>>) target(%dma_start3A_243 : memref<10112x128xf32, #tpu.memory_space<vmem_shared>>) offsets(%dma_start3A_240 : memref<128xi32, #tpu.memory_space<vmem>>) semaphore(%run_scoped3A_237 : memref<!tpu.dma_semaphore, #tpu.memory_space<semaphore_mem>>) {add = true}
      %dma_wait3A_244 = arith.constant 0 : i32
      %dma_wait3A_245 = tpu.memref_slice %arg10[%run_scoped3A, %dma_wait3A_244] : memref<40x128xi32, #tpu.memory_space<vmem>> -> memref<1x128xi32, #tpu.memory_space<vmem>>
      %dma_wait3A_246 = tpu.memref_squeeze %dma_wait3A_245 : memref<1x128xi32, #tpu.memory_space<vmem>> -> memref<128xi32, #tpu.memory_space<vmem>>
      %dma_wait3A_247 = arith.constant 0 : i32
      %dma_wait3A_248 = arith.constant 0 : i32
      %dma_wait3A_249 = tpu.memref_slice %arg7[%dma_wait3A_247, %dma_wait3A_248] : memref<10112x128xf32, #tpu.memory_space<vmem_shared>> -> memref<10112x128xf32, #tpu.memory_space<vmem_shared>>
      tpu.wait_indirect_dma semaphore(%run_scoped3A_237 : memref<!tpu.dma_semaphore, #tpu.memory_space<semaphore_mem>>) src(%arg11 : memref<128x128xf32, #tpu.memory_space<vmem>>) dst(%dma_wait3A_249 : memref<10112x128xf32, #tpu.memory_space<vmem_shared>>)
      tpu.yield
    }) : () -> ()
    %dma_start3A_82 = arith.constant 38 : i32
    %dma_start3A_83 = arith.constant 0 : i32
    %dma_start3A_84 = tpu.memref_slice %arg10[%dma_start3A_82, %dma_start3A_83] : memref<40x128xi32, #tpu.memory_space<vmem>> -> memref<1x128xi32, #tpu.memory_space<vmem>>
    %dma_start3A_85 = tpu.memref_squeeze %dma_start3A_84 : memref<1x128xi32, #tpu.memory_space<vmem>> -> memref<128xi32, #tpu.memory_space<vmem>>
    %dma_start3A_86 = arith.constant 0 : i32
    %dma_start3A_87 = tpu.memref_slice %arg8[%dma_start3A_86] : memref<10240xf32, #tpu.memory_space<vmem_shared>> -> memref<10240xf32, #tpu.memory_space<vmem_shared>>
    tpu.enqueue_indirect_dma source(%arg13 : memref<128xf32, #tpu.memory_space<vmem>>) target(%dma_start3A_87 : memref<10240xf32, #tpu.memory_space<vmem_shared>>) offsets(%dma_start3A_85 : memref<128xi32, #tpu.memory_space<vmem>>) semaphore(%arg17 : memref<!tpu.dma_semaphore, #tpu.memory_space<semaphore_mem>>) {add = true}
    %dma_wait3A_88 = arith.constant 39 : i32
    %dma_wait3A_89 = arith.constant 0 : i32
    %dma_wait3A_90 = tpu.memref_slice %arg9[%dma_wait3A_88, %dma_wait3A_89] : memref<40x128xi32, #tpu.memory_space<vmem>> -> memref<1x128xi32, #tpu.memory_space<vmem>>
    %dma_wait3A_91 = tpu.memref_squeeze %dma_wait3A_90 : memref<1x128xi32, #tpu.memory_space<vmem>> -> memref<128xi32, #tpu.memory_space<vmem>>
    %dma_wait3A_92 = arith.constant 0 : i32
    %dma_wait3A_93 = arith.constant 0 : i32
    %dma_wait3A_94 = tpu.memref_slice %arg2[%dma_wait3A_92, %dma_wait3A_93] : memref<10000x128xf32, #tpu.memory_space<hbm>> -> memref<10000x128xf32, #tpu.memory_space<hbm>>
    tpu.wait_indirect_dma semaphore(%arg16 : memref<!tpu.dma_semaphore, #tpu.memory_space<semaphore_mem>>) src(%dma_wait3A_94 : memref<10000x128xf32, #tpu.memory_space<hbm>>) dst(%arg12 : memref<128x128xf32, #tpu.memory_space<vmem>>)
    %run_scoped3A_95 = arith.constant 39 : i32
    "tpu.region"() ({
      %run_scoped3A_237 = tpu.sem_alloc : memref<!tpu.dma_semaphore, #tpu.memory_space<semaphore_mem>>
      %dma_start3A_238 = arith.constant 0 : i32
      %dma_start3A_239 = tpu.memref_slice %arg10[%run_scoped3A_95, %dma_start3A_238] : memref<40x128xi32, #tpu.memory_space<vmem>> -> memref<1x128xi32, #tpu.memory_space<vmem>>
      %dma_start3A_240 = tpu.memref_squeeze %dma_start3A_239 : memref<1x128xi32, #tpu.memory_space<vmem>> -> memref<128xi32, #tpu.memory_space<vmem>>
      %dma_start3A_241 = arith.constant 0 : i32
      %dma_start3A_242 = arith.constant 0 : i32
      %dma_start3A_243 = tpu.memref_slice %arg7[%dma_start3A_241, %dma_start3A_242] : memref<10112x128xf32, #tpu.memory_space<vmem_shared>> -> memref<10112x128xf32, #tpu.memory_space<vmem_shared>>
      tpu.enqueue_indirect_dma source(%arg12 : memref<128x128xf32, #tpu.memory_space<vmem>>) target(%dma_start3A_243 : memref<10112x128xf32, #tpu.memory_space<vmem_shared>>) offsets(%dma_start3A_240 : memref<128xi32, #tpu.memory_space<vmem>>) semaphore(%run_scoped3A_237 : memref<!tpu.dma_semaphore, #tpu.memory_space<semaphore_mem>>) {add = true}
      %dma_wait3A_244 = arith.constant 0 : i32
      %dma_wait3A_245 = tpu.memref_slice %arg10[%run_scoped3A_95, %dma_wait3A_244] : memref<40x128xi32, #tpu.memory_space<vmem>> -> memref<1x128xi32, #tpu.memory_space<vmem>>
      %dma_wait3A_246 = tpu.memref_squeeze %dma_wait3A_245 : memref<1x128xi32, #tpu.memory_space<vmem>> -> memref<128xi32, #tpu.memory_space<vmem>>
      %dma_wait3A_247 = arith.constant 0 : i32
      %dma_wait3A_248 = arith.constant 0 : i32
      %dma_wait3A_249 = tpu.memref_slice %arg7[%dma_wait3A_247, %dma_wait3A_248] : memref<10112x128xf32, #tpu.memory_space<vmem_shared>> -> memref<10112x128xf32, #tpu.memory_space<vmem_shared>>
      tpu.wait_indirect_dma semaphore(%run_scoped3A_237 : memref<!tpu.dma_semaphore, #tpu.memory_space<semaphore_mem>>) src(%arg12 : memref<128x128xf32, #tpu.memory_space<vmem>>) dst(%dma_wait3A_249 : memref<10112x128xf32, #tpu.memory_space<vmem_shared>>)
      tpu.yield
    }) : () -> ()
    %dma_start3A_96 = arith.constant 39 : i32
    %dma_start3A_97 = arith.constant 0 : i32
    %dma_start3A_98 = tpu.memref_slice %arg10[%dma_start3A_96, %dma_start3A_97] : memref<40x128xi32, #tpu.memory_space<vmem>> -> memref<1x128xi32, #tpu.memory_space<vmem>>
    %dma_start3A_99 = tpu.memref_squeeze %dma_start3A_98 : memref<1x128xi32, #tpu.memory_space<vmem>> -> memref<128xi32, #tpu.memory_space<vmem>>
    %dma_start3A_100 = arith.constant 0 : i32
    %dma_start3A_101 = tpu.memref_slice %arg8[%dma_start3A_100] : memref<10240xf32, #tpu.memory_space<vmem_shared>> -> memref<10240xf32, #tpu.memory_space<vmem_shared>>
    tpu.enqueue_indirect_dma source(%arg13 : memref<128xf32, #tpu.memory_space<vmem>>) target(%dma_start3A_101 : memref<10240xf32, #tpu.memory_space<vmem_shared>>) offsets(%dma_start3A_99 : memref<128xi32, #tpu.memory_space<vmem>>) semaphore(%arg17 : memref<!tpu.dma_semaphore, #tpu.memory_space<semaphore_mem>>) {add = true}
    %scan3A_102 = arith.constant 0 : i32
    %scan3A_103 = arith.constant 40 : i32
    %scan3A_104 = arith.addi %scan3A_102, %scan3A_103 : i32
    %scan3A_105 = arith.constant 1 : i32
    scf.for %scan3A_237 = %scan3A_102 to %scan3A_104 step %scan3A_105  : i32 {
      %mul3A_238 = arith.constant 1 : i32
      %mul3A_239 = arith.muli %scan3A_237, %mul3A_238 : i32
      %add3A_240 = arith.constant 0 : i32
      %add3A_241 = arith.addi %add3A_240, %mul3A_239 : i32
      %dma_wait3A_242 = arith.constant 0 : i32
      %dma_wait3A_243 = arith.constant 0 : i32
      %dma_wait3A_244 = tpu.memref_slice %arg10[%dma_wait3A_242, %dma_wait3A_243] : memref<40x128xi32, #tpu.memory_space<vmem>> -> memref<1x128xi32, #tpu.memory_space<vmem>>
      %dma_wait3A_245 = tpu.memref_squeeze %dma_wait3A_244 : memref<1x128xi32, #tpu.memory_space<vmem>> -> memref<128xi32, #tpu.memory_space<vmem>>
      %dma_wait3A_246 = arith.constant 0 : i32
      %dma_wait3A_247 = tpu.memref_slice %arg8[%dma_wait3A_246] : memref<10240xf32, #tpu.memory_space<vmem_shared>> -> memref<10240xf32, #tpu.memory_space<vmem_shared>>
      tpu.wait_indirect_dma semaphore(%arg17 : memref<!tpu.dma_semaphore, #tpu.memory_space<semaphore_mem>>) src(%arg13 : memref<128xf32, #tpu.memory_space<vmem>>) dst(%dma_wait3A_247 : memref<10240xf32, #tpu.memory_space<vmem_shared>>)
    }
    %scan3A_106 = arith.constant 40 : i32
    "tpu.region"() ({
      %run_scoped3A_237 = tpu.sem_alloc : memref<!tpu.dma_semaphore, #tpu.memory_space<semaphore_mem>>
      %dma_start3A_238 = arith.constant 40 : i32
      %dma_start3A_239 = arith.constant 0 : i32
      %dma_start3A_240 = tpu.memref_slice %arg3[%add3A, %dma_start3A_238, %dma_start3A_239] : memref<32x80x128xi32, #tpu.memory_space<hbm>> -> memref<1x40x128xi32, #tpu.memory_space<hbm>>
      %dma_start3A_241 = tpu.memref_squeeze %dma_start3A_240 : memref<1x40x128xi32, #tpu.memory_space<hbm>> -> memref<40x128xi32, #tpu.memory_space<hbm>>
      %dma_start3A_242 = arith.constant 40 : i32
      %dma_start3A_243 = arith.constant 0 : i32
      %dma_start3A_244 = tpu.memref_slice %arg3[%add3A, %dma_start3A_242, %dma_start3A_243] : memref<32x80x128xi32, #tpu.memory_space<hbm>> -> memref<1x40x128xi32, #tpu.memory_space<hbm>>
      %dma_start3A_245 = tpu.memref_squeeze %dma_start3A_244 : memref<1x40x128xi32, #tpu.memory_space<hbm>> -> memref<40x128xi32, #tpu.memory_space<hbm>>
      tpu.enqueue_dma source(%dma_start3A_245 : memref<40x128xi32, #tpu.memory_space<hbm>>) target(%arg9 : memref<40x128xi32, #tpu.memory_space<vmem>>) target_semaphore(%run_scoped3A_237 : memref<!tpu.dma_semaphore, #tpu.memory_space<semaphore_mem>>)
      %dma_wait3A_246 = arith.constant 40 : i32
      %dma_wait3A_247 = arith.constant 0 : i32
      %dma_wait3A_248 = tpu.memref_slice %arg3[%add3A, %dma_wait3A_246, %dma_wait3A_247] : memref<32x80x128xi32, #tpu.memory_space<hbm>> -> memref<1x40x128xi32, #tpu.memory_space<hbm>>
      %dma_wait3A_249 = tpu.memref_squeeze %dma_wait3A_248 : memref<1x40x128xi32, #tpu.memory_space<hbm>> -> memref<40x128xi32, #tpu.memory_space<hbm>>
      %dma_wait3A_250 = arith.constant 40 : i32
      %dma_wait3A_251 = arith.constant 0 : i32
      %dma_wait3A_252 = tpu.memref_slice %arg3[%add3A, %dma_wait3A_250, %dma_wait3A_251] : memref<32x80x128xi32, #tpu.memory_space<hbm>> -> memref<1x40x128xi32, #tpu.memory_space<hbm>>
      %dma_wait3A_253 = tpu.memref_squeeze %dma_wait3A_252 : memref<1x40x128xi32, #tpu.memory_space<hbm>> -> memref<40x128xi32, #tpu.memory_space<hbm>>
      tpu.wait_dma2 semaphore(%run_scoped3A_237 : memref<!tpu.dma_semaphore, #tpu.memory_space<semaphore_mem>>) src(%dma_wait3A_253 : memref<40x128xi32, #tpu.memory_space<hbm>>) dst(%arg9 : memref<40x128xi32, #tpu.memory_space<vmem>>)
      tpu.yield
    }) : () -> ()
    "tpu.region"() ({
      %run_scoped3A_237 = tpu.sem_alloc : memref<!tpu.dma_semaphore, #tpu.memory_space<semaphore_mem>>
      %dma_start3A_238 = arith.constant 40 : i32
      %dma_start3A_239 = arith.constant 0 : i32
      %dma_start3A_240 = tpu.memref_slice %arg4[%add3A, %dma_start3A_238, %dma_start3A_239] : memref<32x80x128xi32, #tpu.memory_space<hbm>> -> memref<1x40x128xi32, #tpu.memory_space<hbm>>
      %dma_start3A_241 = tpu.memref_squeeze %dma_start3A_240 : memref<1x40x128xi32, #tpu.memory_space<hbm>> -> memref<40x128xi32, #tpu.memory_space<hbm>>
      %dma_start3A_242 = arith.constant 40 : i32
      %dma_start3A_243 = arith.constant 0 : i32
      %dma_start3A_244 = tpu.memref_slice %arg4[%add3A, %dma_start3A_242, %dma_start3A_243] : memref<32x80x128xi32, #tpu.memory_space<hbm>> -> memref<1x40x128xi32, #tpu.memory_space<hbm>>
      %dma_start3A_245 = tpu.memref_squeeze %dma_start3A_244 : memref<1x40x128xi32, #tpu.memory_space<hbm>> -> memref<40x128xi32, #tpu.memory_space<hbm>>
      tpu.enqueue_dma source(%dma_start3A_245 : memref<40x128xi32, #tpu.memory_space<hbm>>) target(%arg10 : memref<40x128xi32, #tpu.memory_space<vmem>>) target_semaphore(%run_scoped3A_237 : memref<!tpu.dma_semaphore, #tpu.memory_space<semaphore_mem>>)
      %dma_wait3A_246 = arith.constant 40 : i32
      %dma_wait3A_247 = arith.constant 0 : i32
      %dma_wait3A_248 = tpu.memref_slice %arg4[%add3A, %dma_wait3A_246, %dma_wait3A_247] : memref<32x80x128xi32, #tpu.memory_space<hbm>> -> memref<1x40x128xi32, #tpu.memory_space<hbm>>
      %dma_wait3A_249 = tpu.memref_squeeze %dma_wait3A_248 : memref<1x40x128xi32, #tpu.memory_space<hbm>> -> memref<40x128xi32, #tpu.memory_space<hbm>>
      %dma_wait3A_250 = arith.constant 40 : i32
      %dma_wait3A_251 = arith.constant 0 : i32
      %dma_wait3A_252 = tpu.memref_slice %arg4[%add3A, %dma_wait3A_250, %dma_wait3A_251] : memref<32x80x128xi32, #tpu.memory_space<hbm>> -> memref<1x40x128xi32, #tpu.memory_space<hbm>>
      %dma_wait3A_253 = tpu.memref_squeeze %dma_wait3A_252 : memref<1x40x128xi32, #tpu.memory_space<hbm>> -> memref<40x128xi32, #tpu.memory_space<hbm>>
      tpu.wait_dma2 semaphore(%run_scoped3A_237 : memref<!tpu.dma_semaphore, #tpu.memory_space<semaphore_mem>>) src(%dma_wait3A_253 : memref<40x128xi32, #tpu.memory_space<hbm>>) dst(%arg10 : memref<40x128xi32, #tpu.memory_space<vmem>>)
      tpu.yield
    }) : () -> ()
    %dma_start3A_107 = arith.constant 0 : i32
    %dma_start3A_108 = arith.constant 0 : i32
    %dma_start3A_109 = tpu.memref_slice %arg9[%dma_start3A_107, %dma_start3A_108] : memref<40x128xi32, #tpu.memory_space<vmem>> -> memref<1x128xi32, #tpu.memory_space<vmem>>
    %dma_start3A_110 = tpu.memref_squeeze %dma_start3A_109 : memref<1x128xi32, #tpu.memory_space<vmem>> -> memref<128xi32, #tpu.memory_space<vmem>>
    %dma_start3A_111 = arith.constant 0 : i32
    %dma_start3A_112 = arith.constant 0 : i32
    %dma_start3A_113 = tpu.memref_slice %arg2[%dma_start3A_111, %dma_start3A_112] : memref<10000x128xf32, #tpu.memory_space<hbm>> -> memref<10000x128xf32, #tpu.memory_space<hbm>>
    tpu.enqueue_indirect_dma source(%dma_start3A_113 : memref<10000x128xf32, #tpu.memory_space<hbm>>) target(%arg11 : memref<128x128xf32, #tpu.memory_space<vmem>>) offsets(%dma_start3A_110 : memref<128xi32, #tpu.memory_space<vmem>>) semaphore(%arg15 : memref<!tpu.dma_semaphore, #tpu.memory_space<semaphore_mem>>)
    %scan3A_114 = arith.constant 0 : i32
    %scan3A_115 = arith.constant 19 : i32
    %scan3A_116 = arith.addi %scan3A_114, %scan3A_115 : i32
    %scan3A_117 = arith.constant 1 : i32
    scf.for %scan3A_237 = %scan3A_114 to %scan3A_116 step %scan3A_117  : i32 {
      %mul3A_238 = arith.constant 1 : i32
      %mul3A_239 = arith.muli %scan3A_237, %mul3A_238 : i32
      %add3A_240 = arith.constant 0 : i32
      %add3A_241 = arith.addi %add3A_240, %mul3A_239 : i32
      %mul3A_242 = arith.constant 2 : i32
      %mul3A_243 = arith.muli %mul3A_242, %add3A_241 : i32
      %dma_wait3A_244 = arith.constant 0 : i32
      %dma_wait3A_245 = tpu.memref_slice %arg9[%mul3A_243, %dma_wait3A_244] : memref<40x128xi32, #tpu.memory_space<vmem>> -> memref<1x128xi32, #tpu.memory_space<vmem>>
      %dma_wait3A_246 = tpu.memref_squeeze %dma_wait3A_245 : memref<1x128xi32, #tpu.memory_space<vmem>> -> memref<128xi32, #tpu.memory_space<vmem>>
      %dma_wait3A_247 = arith.constant 0 : i32
      %dma_wait3A_248 = arith.constant 0 : i32
      %dma_wait3A_249 = tpu.memref_slice %arg2[%dma_wait3A_247, %dma_wait3A_248] : memref<10000x128xf32, #tpu.memory_space<hbm>> -> memref<10000x128xf32, #tpu.memory_space<hbm>>
      tpu.wait_indirect_dma semaphore(%arg15 : memref<!tpu.dma_semaphore, #tpu.memory_space<semaphore_mem>>) src(%dma_wait3A_249 : memref<10000x128xf32, #tpu.memory_space<hbm>>) dst(%arg11 : memref<128x128xf32, #tpu.memory_space<vmem>>)
      %add3A_250 = arith.constant 1 : i32
      %add3A_251 = arith.addi %mul3A_243, %add3A_250 : i32
      %dma_start3A_252 = arith.constant 0 : i32
      %dma_start3A_253 = tpu.memref_slice %arg9[%add3A_251, %dma_start3A_252] : memref<40x128xi32, #tpu.memory_space<vmem>> -> memref<1x128xi32, #tpu.memory_space<vmem>>
      %dma_start3A_254 = tpu.memref_squeeze %dma_start3A_253 : memref<1x128xi32, #tpu.memory_space<vmem>> -> memref<128xi32, #tpu.memory_space<vmem>>
      %dma_start3A_255 = arith.constant 0 : i32
      %dma_start3A_256 = arith.constant 0 : i32
      %dma_start3A_257 = tpu.memref_slice %arg2[%dma_start3A_255, %dma_start3A_256] : memref<10000x128xf32, #tpu.memory_space<hbm>> -> memref<10000x128xf32, #tpu.memory_space<hbm>>
      tpu.enqueue_indirect_dma source(%dma_start3A_257 : memref<10000x128xf32, #tpu.memory_space<hbm>>) target(%arg12 : memref<128x128xf32, #tpu.memory_space<vmem>>) offsets(%dma_start3A_254 : memref<128xi32, #tpu.memory_space<vmem>>) semaphore(%arg16 : memref<!tpu.dma_semaphore, #tpu.memory_space<semaphore_mem>>)
      "tpu.region"() ({
        %run_scoped3A_288 = tpu.sem_alloc : memref<!tpu.dma_semaphore, #tpu.memory_space<semaphore_mem>>
        %dma_start3A_289 = arith.constant 0 : i32
        %dma_start3A_290 = tpu.memref_slice %arg10[%mul3A_243, %dma_start3A_289] : memref<40x128xi32, #tpu.memory_space<vmem>> -> memref<1x128xi32, #tpu.memory_space<vmem>>
        %dma_start3A_291 = tpu.memref_squeeze %dma_start3A_290 : memref<1x128xi32, #tpu.memory_space<vmem>> -> memref<128xi32, #tpu.memory_space<vmem>>
        %dma_start3A_292 = arith.constant 0 : i32
        %dma_start3A_293 = arith.constant 0 : i32
        %dma_start3A_294 = tpu.memref_slice %arg7[%dma_start3A_292, %dma_start3A_293] : memref<10112x128xf32, #tpu.memory_space<vmem_shared>> -> memref<10112x128xf32, #tpu.memory_space<vmem_shared>>
        tpu.enqueue_indirect_dma source(%arg11 : memref<128x128xf32, #tpu.memory_space<vmem>>) target(%dma_start3A_294 : memref<10112x128xf32, #tpu.memory_space<vmem_shared>>) offsets(%dma_start3A_291 : memref<128xi32, #tpu.memory_space<vmem>>) semaphore(%run_scoped3A_288 : memref<!tpu.dma_semaphore, #tpu.memory_space<semaphore_mem>>) {add = true}
        %dma_wait3A_295 = arith.constant 0 : i32
        %dma_wait3A_296 = tpu.memref_slice %arg10[%mul3A_243, %dma_wait3A_295] : memref<40x128xi32, #tpu.memory_space<vmem>> -> memref<1x128xi32, #tpu.memory_space<vmem>>
        %dma_wait3A_297 = tpu.memref_squeeze %dma_wait3A_296 : memref<1x128xi32, #tpu.memory_space<vmem>> -> memref<128xi32, #tpu.memory_space<vmem>>
        %dma_wait3A_298 = arith.constant 0 : i32
        %dma_wait3A_299 = arith.constant 0 : i32
        %dma_wait3A_300 = tpu.memref_slice %arg7[%dma_wait3A_298, %dma_wait3A_299] : memref<10112x128xf32, #tpu.memory_space<vmem_shared>> -> memref<10112x128xf32, #tpu.memory_space<vmem_shared>>
        tpu.wait_indirect_dma semaphore(%run_scoped3A_288 : memref<!tpu.dma_semaphore, #tpu.memory_space<semaphore_mem>>) src(%arg11 : memref<128x128xf32, #tpu.memory_space<vmem>>) dst(%dma_wait3A_300 : memref<10112x128xf32, #tpu.memory_space<vmem_shared>>)
        tpu.yield
      }) : () -> ()
      %dma_start3A_258 = arith.constant 0 : i32
      %dma_start3A_259 = tpu.memref_slice %arg10[%mul3A_243, %dma_start3A_258] : memref<40x128xi32, #tpu.memory_space<vmem>> -> memref<1x128xi32, #tpu.memory_space<vmem>>
      %dma_start3A_260 = tpu.memref_squeeze %dma_start3A_259 : memref<1x128xi32, #tpu.memory_space<vmem>> -> memref<128xi32, #tpu.memory_space<vmem>>
      %dma_start3A_261 = arith.constant 0 : i32
      %dma_start3A_262 = tpu.memref_slice %arg8[%dma_start3A_261] : memref<10240xf32, #tpu.memory_space<vmem_shared>> -> memref<10240xf32, #tpu.memory_space<vmem_shared>>
      tpu.enqueue_indirect_dma source(%arg13 : memref<128xf32, #tpu.memory_space<vmem>>) target(%dma_start3A_262 : memref<10240xf32, #tpu.memory_space<vmem_shared>>) offsets(%dma_start3A_260 : memref<128xi32, #tpu.memory_space<vmem>>) semaphore(%arg17 : memref<!tpu.dma_semaphore, #tpu.memory_space<semaphore_mem>>) {add = true}
      %add3A_263 = arith.constant 1 : i32
      %add3A_264 = arith.addi %mul3A_243, %add3A_263 : i32
      %dma_wait3A_265 = arith.constant 0 : i32
      %dma_wait3A_266 = tpu.memref_slice %arg9[%add3A_264, %dma_wait3A_265] : memref<40x128xi32, #tpu.memory_space<vmem>> -> memref<1x128xi32, #tpu.memory_space<vmem>>
      %dma_wait3A_267 = tpu.memref_squeeze %dma_wait3A_266 : memref<1x128xi32, #tpu.memory_space<vmem>> -> memref<128xi32, #tpu.memory_space<vmem>>
      %dma_wait3A_268 = arith.constant 0 : i32
      %dma_wait3A_269 = arith.constant 0 : i32
      %dma_wait3A_270 = tpu.memref_slice %arg2[%dma_wait3A_268, %dma_wait3A_269] : memref<10000x128xf32, #tpu.memory_space<hbm>> -> memref<10000x128xf32, #tpu.memory_space<hbm>>
      tpu.wait_indirect_dma semaphore(%arg16 : memref<!tpu.dma_semaphore, #tpu.memory_space<semaphore_mem>>) src(%dma_wait3A_270 : memref<10000x128xf32, #tpu.memory_space<hbm>>) dst(%arg12 : memref<128x128xf32, #tpu.memory_space<vmem>>)
      %add3A_271 = arith.constant 2 : i32
      %add3A_272 = arith.addi %mul3A_243, %add3A_271 : i32
      %dma_start3A_273 = arith.constant 0 : i32
      %dma_start3A_274 = tpu.memref_slice %arg9[%add3A_272, %dma_start3A_273] : memref<40x128xi32, #tpu.memory_space<vmem>> -> memref<1x128xi32, #tpu.memory_space<vmem>>
      %dma_start3A_275 = tpu.memref_squeeze %dma_start3A_274 : memref<1x128xi32, #tpu.memory_space<vmem>> -> memref<128xi32, #tpu.memory_space<vmem>>
      %dma_start3A_276 = arith.constant 0 : i32
      %dma_start3A_277 = arith.constant 0 : i32
      %dma_start3A_278 = tpu.memref_slice %arg2[%dma_start3A_276, %dma_start3A_277] : memref<10000x128xf32, #tpu.memory_space<hbm>> -> memref<10000x128xf32, #tpu.memory_space<hbm>>
      tpu.enqueue_indirect_dma source(%dma_start3A_278 : memref<10000x128xf32, #tpu.memory_space<hbm>>) target(%arg11 : memref<128x128xf32, #tpu.memory_space<vmem>>) offsets(%dma_start3A_275 : memref<128xi32, #tpu.memory_space<vmem>>) semaphore(%arg15 : memref<!tpu.dma_semaphore, #tpu.memory_space<semaphore_mem>>)
      %add3A_279 = arith.constant 1 : i32
      %add3A_280 = arith.addi %mul3A_243, %add3A_279 : i32
      "tpu.region"() ({
        %run_scoped3A_288 = tpu.sem_alloc : memref<!tpu.dma_semaphore, #tpu.memory_space<semaphore_mem>>
        %dma_start3A_289 = arith.constant 0 : i32
        %dma_start3A_290 = tpu.memref_slice %arg10[%add3A_280, %dma_start3A_289] : memref<40x128xi32, #tpu.memory_space<vmem>> -> memref<1x128xi32, #tpu.memory_space<vmem>>
        %dma_start3A_291 = tpu.memref_squeeze %dma_start3A_290 : memref<1x128xi32, #tpu.memory_space<vmem>> -> memref<128xi32, #tpu.memory_space<vmem>>
        %dma_start3A_292 = arith.constant 0 : i32
        %dma_start3A_293 = arith.constant 0 : i32
        %dma_start3A_294 = tpu.memref_slice %arg7[%dma_start3A_292, %dma_start3A_293] : memref<10112x128xf32, #tpu.memory_space<vmem_shared>> -> memref<10112x128xf32, #tpu.memory_space<vmem_shared>>
        tpu.enqueue_indirect_dma source(%arg12 : memref<128x128xf32, #tpu.memory_space<vmem>>) target(%dma_start3A_294 : memref<10112x128xf32, #tpu.memory_space<vmem_shared>>) offsets(%dma_start3A_291 : memref<128xi32, #tpu.memory_space<vmem>>) semaphore(%run_scoped3A_288 : memref<!tpu.dma_semaphore, #tpu.memory_space<semaphore_mem>>) {add = true}
        %dma_wait3A_295 = arith.constant 0 : i32
        %dma_wait3A_296 = tpu.memref_slice %arg10[%add3A_280, %dma_wait3A_295] : memref<40x128xi32, #tpu.memory_space<vmem>> -> memref<1x128xi32, #tpu.memory_space<vmem>>
        %dma_wait3A_297 = tpu.memref_squeeze %dma_wait3A_296 : memref<1x128xi32, #tpu.memory_space<vmem>> -> memref<128xi32, #tpu.memory_space<vmem>>
        %dma_wait3A_298 = arith.constant 0 : i32
        %dma_wait3A_299 = arith.constant 0 : i32
        %dma_wait3A_300 = tpu.memref_slice %arg7[%dma_wait3A_298, %dma_wait3A_299] : memref<10112x128xf32, #tpu.memory_space<vmem_shared>> -> memref<10112x128xf32, #tpu.memory_space<vmem_shared>>
        tpu.wait_indirect_dma semaphore(%run_scoped3A_288 : memref<!tpu.dma_semaphore, #tpu.memory_space<semaphore_mem>>) src(%arg12 : memref<128x128xf32, #tpu.memory_space<vmem>>) dst(%dma_wait3A_300 : memref<10112x128xf32, #tpu.memory_space<vmem_shared>>)
        tpu.yield
      }) : () -> ()
      %add3A_281 = arith.constant 1 : i32
      %add3A_282 = arith.addi %mul3A_243, %add3A_281 : i32
      %dma_start3A_283 = arith.constant 0 : i32
      %dma_start3A_284 = tpu.memref_slice %arg10[%add3A_282, %dma_start3A_283] : memref<40x128xi32, #tpu.memory_space<vmem>> -> memref<1x128xi32, #tpu.memory_space<vmem>>
      %dma_start3A_285 = tpu.memref_squeeze %dma_start3A_284 : memref<1x128xi32, #tpu.memory_space<vmem>> -> memref<128xi32, #tpu.memory_space<vmem>>
      %dma_start3A_286 = arith.constant 0 : i32
      %dma_start3A_287 = tpu.memref_slice %arg8[%dma_start3A_286] : memref<10240xf32, #tpu.memory_space<vmem_shared>> -> memref<10240xf32, #tpu.memory_space<vmem_shared>>
      tpu.enqueue_indirect_dma source(%arg13 : memref<128xf32, #tpu.memory_space<vmem>>) target(%dma_start3A_287 : memref<10240xf32, #tpu.memory_space<vmem_shared>>) offsets(%dma_start3A_285 : memref<128xi32, #tpu.memory_space<vmem>>) semaphore(%arg17 : memref<!tpu.dma_semaphore, #tpu.memory_space<semaphore_mem>>) {add = true}
    }
    %scan3A_118 = arith.constant 19 : i32
    %dma_wait3A_119 = arith.constant 38 : i32
    %dma_wait3A_120 = arith.constant 0 : i32
    %dma_wait3A_121 = tpu.memref_slice %arg9[%dma_wait3A_119, %dma_wait3A_120] : memref<40x128xi32, #tpu.memory_space<vmem>> -> memref<1x128xi32, #tpu.memory_space<vmem>>
    %dma_wait3A_122 = tpu.memref_squeeze %dma_wait3A_121 : memref<1x128xi32, #tpu.memory_space<vmem>> -> memref<128xi32, #tpu.memory_space<vmem>>
    %dma_wait3A_123 = arith.constant 0 : i32
    %dma_wait3A_124 = arith.constant 0 : i32
    %dma_wait3A_125 = tpu.memref_slice %arg2[%dma_wait3A_123, %dma_wait3A_124] : memref<10000x128xf32, #tpu.memory_space<hbm>> -> memref<10000x128xf32, #tpu.memory_space<hbm>>
    tpu.wait_indirect_dma semaphore(%arg15 : memref<!tpu.dma_semaphore, #tpu.memory_space<semaphore_mem>>) src(%dma_wait3A_125 : memref<10000x128xf32, #tpu.memory_space<hbm>>) dst(%arg11 : memref<128x128xf32, #tpu.memory_space<vmem>>)
    %dma_start3A_126 = arith.constant 39 : i32
    %dma_start3A_127 = arith.constant 0 : i32
    %dma_start3A_128 = tpu.memref_slice %arg9[%dma_start3A_126, %dma_start3A_127] : memref<40x128xi32, #tpu.memory_space<vmem>> -> memref<1x128xi32, #tpu.memory_space<vmem>>
    %dma_start3A_129 = tpu.memref_squeeze %dma_start3A_128 : memref<1x128xi32, #tpu.memory_space<vmem>> -> memref<128xi32, #tpu.memory_space<vmem>>
    %dma_start3A_130 = arith.constant 0 : i32
    %dma_start3A_131 = arith.constant 0 : i32
    %dma_start3A_132 = tpu.memref_slice %arg2[%dma_start3A_130, %dma_start3A_131] : memref<10000x128xf32, #tpu.memory_space<hbm>> -> memref<10000x128xf32, #tpu.memory_space<hbm>>
    tpu.enqueue_indirect_dma source(%dma_start3A_132 : memref<10000x128xf32, #tpu.memory_space<hbm>>) target(%arg12 : memref<128x128xf32, #tpu.memory_space<vmem>>) offsets(%dma_start3A_129 : memref<128xi32, #tpu.memory_space<vmem>>) semaphore(%arg16 : memref<!tpu.dma_semaphore, #tpu.memory_space<semaphore_mem>>)
    %run_scoped3A_133 = arith.constant 38 : i32
    "tpu.region"() ({
      %run_scoped3A_237 = tpu.sem_alloc : memref<!tpu.dma_semaphore, #tpu.memory_space<semaphore_mem>>
      %dma_start3A_238 = arith.constant 0 : i32
      %dma_start3A_239 = tpu.memref_slice %arg10[%run_scoped3A_133, %dma_start3A_238] : memref<40x128xi32, #tpu.memory_space<vmem>> -> memref<1x128xi32, #tpu.memory_space<vmem>>
      %dma_start3A_240 = tpu.memref_squeeze %dma_start3A_239 : memref<1x128xi32, #tpu.memory_space<vmem>> -> memref<128xi32, #tpu.memory_space<vmem>>
      %dma_start3A_241 = arith.constant 0 : i32
      %dma_start3A_242 = arith.constant 0 : i32
      %dma_start3A_243 = tpu.memref_slice %arg7[%dma_start3A_241, %dma_start3A_242] : memref<10112x128xf32, #tpu.memory_space<vmem_shared>> -> memref<10112x128xf32, #tpu.memory_space<vmem_shared>>
      tpu.enqueue_indirect_dma source(%arg11 : memref<128x128xf32, #tpu.memory_space<vmem>>) target(%dma_start3A_243 : memref<10112x128xf32, #tpu.memory_space<vmem_shared>>) offsets(%dma_start3A_240 : memref<128xi32, #tpu.memory_space<vmem>>) semaphore(%run_scoped3A_237 : memref<!tpu.dma_semaphore, #tpu.memory_space<semaphore_mem>>) {add = true}
      %dma_wait3A_244 = arith.constant 0 : i32
      %dma_wait3A_245 = tpu.memref_slice %arg10[%run_scoped3A_133, %dma_wait3A_244] : memref<40x128xi32, #tpu.memory_space<vmem>> -> memref<1x128xi32, #tpu.memory_space<vmem>>
      %dma_wait3A_246 = tpu.memref_squeeze %dma_wait3A_245 : memref<1x128xi32, #tpu.memory_space<vmem>> -> memref<128xi32, #tpu.memory_space<vmem>>
      %dma_wait3A_247 = arith.constant 0 : i32
      %dma_wait3A_248 = arith.constant 0 : i32
      %dma_wait3A_249 = tpu.memref_slice %arg7[%dma_wait3A_247, %dma_wait3A_248] : memref<10112x128xf32, #tpu.memory_space<vmem_shared>> -> memref<10112x128xf32, #tpu.memory_space<vmem_shared>>
      tpu.wait_indirect_dma semaphore(%run_scoped3A_237 : memref<!tpu.dma_semaphore, #tpu.memory_space<semaphore_mem>>) src(%arg11 : memref<128x128xf32, #tpu.memory_space<vmem>>) dst(%dma_wait3A_249 : memref<10112x128xf32, #tpu.memory_space<vmem_shared>>)
      tpu.yield
    }) : () -> ()
    %dma_start3A_134 = arith.constant 38 : i32
    %dma_start3A_135 = arith.constant 0 : i32
    %dma_start3A_136 = tpu.memref_slice %arg10[%dma_start3A_134, %dma_start3A_135] : memref<40x128xi32, #tpu.memory_space<vmem>> -> memref<1x128xi32, #tpu.memory_space<vmem>>
    %dma_start3A_137 = tpu.memref_squeeze %dma_start3A_136 : memref<1x128xi32, #tpu.memory_space<vmem>> -> memref<128xi32, #tpu.memory_space<vmem>>
    %dma_start3A_138 = arith.constant 0 : i32
    %dma_start3A_139 = tpu.memref_slice %arg8[%dma_start3A_138] : memref<10240xf32, #tpu.memory_space<vmem_shared>> -> memref<10240xf32, #tpu.memory_space<vmem_shared>>
    tpu.enqueue_indirect_dma source(%arg13 : memref<128xf32, #tpu.memory_space<vmem>>) target(%dma_start3A_139 : memref<10240xf32, #tpu.memory_space<vmem_shared>>) offsets(%dma_start3A_137 : memref<128xi32, #tpu.memory_space<vmem>>) semaphore(%arg17 : memref<!tpu.dma_semaphore, #tpu.memory_space<semaphore_mem>>) {add = true}
    %dma_wait3A_140 = arith.constant 39 : i32
    %dma_wait3A_141 = arith.constant 0 : i32
    %dma_wait3A_142 = tpu.memref_slice %arg9[%dma_wait3A_140, %dma_wait3A_141] : memref<40x128xi32, #tpu.memory_space<vmem>> -> memref<1x128xi32, #tpu.memory_space<vmem>>
    %dma_wait3A_143 = tpu.memref_squeeze %dma_wait3A_142 : memref<1x128xi32, #tpu.memory_space<vmem>> -> memref<128xi32, #tpu.memory_space<vmem>>
    %dma_wait3A_144 = arith.constant 0 : i32
    %dma_wait3A_145 = arith.constant 0 : i32
    %dma_wait3A_146 = tpu.memref_slice %arg2[%dma_wait3A_144, %dma_wait3A_145] : memref<10000x128xf32, #tpu.memory_space<hbm>> -> memref<10000x128xf32, #tpu.memory_space<hbm>>
    tpu.wait_indirect_dma semaphore(%arg16 : memref<!tpu.dma_semaphore, #tpu.memory_space<semaphore_mem>>) src(%dma_wait3A_146 : memref<10000x128xf32, #tpu.memory_space<hbm>>) dst(%arg12 : memref<128x128xf32, #tpu.memory_space<vmem>>)
    %run_scoped3A_147 = arith.constant 39 : i32
    "tpu.region"() ({
      %run_scoped3A_237 = tpu.sem_alloc : memref<!tpu.dma_semaphore, #tpu.memory_space<semaphore_mem>>
      %dma_start3A_238 = arith.constant 0 : i32
      %dma_start3A_239 = tpu.memref_slice %arg10[%run_scoped3A_147, %dma_start3A_238] : memref<40x128xi32, #tpu.memory_space<vmem>> -> memref<1x128xi32, #tpu.memory_space<vmem>>
      %dma_start3A_240 = tpu.memref_squeeze %dma_start3A_239 : memref<1x128xi32, #tpu.memory_space<vmem>> -> memref<128xi32, #tpu.memory_space<vmem>>
      %dma_start3A_241 = arith.constant 0 : i32
      %dma_start3A_242 = arith.constant 0 : i32
      %dma_start3A_243 = tpu.memref_slice %arg7[%dma_start3A_241, %dma_start3A_242] : memref<10112x128xf32, #tpu.memory_space<vmem_shared>> -> memref<10112x128xf32, #tpu.memory_space<vmem_shared>>
      tpu.enqueue_indirect_dma source(%arg12 : memref<128x128xf32, #tpu.memory_space<vmem>>) target(%dma_start3A_243 : memref<10112x128xf32, #tpu.memory_space<vmem_shared>>) offsets(%dma_start3A_240 : memref<128xi32, #tpu.memory_space<vmem>>) semaphore(%run_scoped3A_237 : memref<!tpu.dma_semaphore, #tpu.memory_space<semaphore_mem>>) {add = true}
      %dma_wait3A_244 = arith.constant 0 : i32
      %dma_wait3A_245 = tpu.memref_slice %arg10[%run_scoped3A_147, %dma_wait3A_244] : memref<40x128xi32, #tpu.memory_space<vmem>> -> memref<1x128xi32, #tpu.memory_space<vmem>>
      %dma_wait3A_246 = tpu.memref_squeeze %dma_wait3A_245 : memref<1x128xi32, #tpu.memory_space<vmem>> -> memref<128xi32, #tpu.memory_space<vmem>>
      %dma_wait3A_247 = arith.constant 0 : i32
      %dma_wait3A_248 = arith.constant 0 : i32
      %dma_wait3A_249 = tpu.memref_slice %arg7[%dma_wait3A_247, %dma_wait3A_248] : memref<10112x128xf32, #tpu.memory_space<vmem_shared>> -> memref<10112x128xf32, #tpu.memory_space<vmem_shared>>
      tpu.wait_indirect_dma semaphore(%run_scoped3A_237 : memref<!tpu.dma_semaphore, #tpu.memory_space<semaphore_mem>>) src(%arg12 : memref<128x128xf32, #tpu.memory_space<vmem>>) dst(%dma_wait3A_249 : memref<10112x128xf32, #tpu.memory_space<vmem_shared>>)
      tpu.yield
    }) : () -> ()
    %dma_start3A_148 = arith.constant 39 : i32
    %dma_start3A_149 = arith.constant 0 : i32
    %dma_start3A_150 = tpu.memref_slice %arg10[%dma_start3A_148, %dma_start3A_149] : memref<40x128xi32, #tpu.memory_space<vmem>> -> memref<1x128xi32, #tpu.memory_space<vmem>>
    %dma_start3A_151 = tpu.memref_squeeze %dma_start3A_150 : memref<1x128xi32, #tpu.memory_space<vmem>> -> memref<128xi32, #tpu.memory_space<vmem>>
    %dma_start3A_152 = arith.constant 0 : i32
    %dma_start3A_153 = tpu.memref_slice %arg8[%dma_start3A_152] : memref<10240xf32, #tpu.memory_space<vmem_shared>> -> memref<10240xf32, #tpu.memory_space<vmem_shared>>
    tpu.enqueue_indirect_dma source(%arg13 : memref<128xf32, #tpu.memory_space<vmem>>) target(%dma_start3A_153 : memref<10240xf32, #tpu.memory_space<vmem_shared>>) offsets(%dma_start3A_151 : memref<128xi32, #tpu.memory_space<vmem>>) semaphore(%arg17 : memref<!tpu.dma_semaphore, #tpu.memory_space<semaphore_mem>>) {add = true}
    %scan3A_154 = arith.constant 0 : i32
    %scan3A_155 = arith.constant 40 : i32
    %scan3A_156 = arith.addi %scan3A_154, %scan3A_155 : i32
    %scan3A_157 = arith.constant 1 : i32
    scf.for %scan3A_237 = %scan3A_154 to %scan3A_156 step %scan3A_157  : i32 {
      %mul3A_238 = arith.constant 1 : i32
      %mul3A_239 = arith.muli %scan3A_237, %mul3A_238 : i32
      %add3A_240 = arith.constant 0 : i32
      %add3A_241 = arith.addi %add3A_240, %mul3A_239 : i32
      %dma_wait3A_242 = arith.constant 0 : i32
      %dma_wait3A_243 = arith.constant 0 : i32
      %dma_wait3A_244 = tpu.memref_slice %arg10[%dma_wait3A_242, %dma_wait3A_243] : memref<40x128xi32, #tpu.memory_space<vmem>> -> memref<1x128xi32, #tpu.memory_space<vmem>>
      %dma_wait3A_245 = tpu.memref_squeeze %dma_wait3A_244 : memref<1x128xi32, #tpu.memory_space<vmem>> -> memref<128xi32, #tpu.memory_space<vmem>>
      %dma_wait3A_246 = arith.constant 0 : i32
      %dma_wait3A_247 = tpu.memref_slice %arg8[%dma_wait3A_246] : memref<10240xf32, #tpu.memory_space<vmem_shared>> -> memref<10240xf32, #tpu.memory_space<vmem_shared>>
      tpu.wait_indirect_dma semaphore(%arg17 : memref<!tpu.dma_semaphore, #tpu.memory_space<semaphore_mem>>) src(%arg13 : memref<128xf32, #tpu.memory_space<vmem>>) dst(%dma_wait3A_247 : memref<10240xf32, #tpu.memory_space<vmem_shared>>)
    }
    %scan3A_158 = arith.constant 40 : i32
    %barrier3A_159 = arith.constant 0 : index
    tpu.barrier barrier_id(%barrier3A_159)
    %add3A_160 = arith.constant 0 : i32
    %add3A_161 = arith.addi %mul3A_45, %add3A_160 : i32
    %dma_start3A_162 = arith.constant 0 : i32
    %dma_start3A_163 = tpu.memref_slice %arg5[%arg0, %add3A_161, %dma_start3A_162] : memref<2x10112x128xf32, #tpu.memory_space<hbm>> -> memref<1x128x128xf32, #tpu.memory_space<hbm>>
    %dma_start3A_164 = tpu.memref_squeeze %dma_start3A_163 : memref<1x128x128xf32, #tpu.memory_space<hbm>> -> memref<128x128xf32, #tpu.memory_space<hbm>>
    %dma_start3A_165 = arith.constant 0 : i32
    %dma_start3A_166 = tpu.memref_slice %arg7[%add3A_161, %dma_start3A_165] : memref<10112x128xf32, #tpu.memory_space<vmem_shared>> -> memref<128x128xf32, #tpu.memory_space<vmem_shared>>
    tpu.enqueue_dma source(%dma_start3A_166 : memref<128x128xf32, #tpu.memory_space<vmem_shared>>) target(%dma_start3A_164 : memref<128x128xf32, #tpu.memory_space<hbm>>) target_semaphore(%arg15 : memref<!tpu.dma_semaphore, #tpu.memory_space<semaphore_mem>>)
    %add3A_167 = arith.constant 128 : i32
    %add3A_168 = arith.addi %mul3A_45, %add3A_167 : i32
    %dma_start3A_169 = arith.constant 0 : i32
    %dma_start3A_170 = tpu.memref_slice %arg5[%arg0, %add3A_168, %dma_start3A_169] : memref<2x10112x128xf32, #tpu.memory_space<hbm>> -> memref<1x128x128xf32, #tpu.memory_space<hbm>>
    %dma_start3A_171 = tpu.memref_squeeze %dma_start3A_170 : memref<1x128x128xf32, #tpu.memory_space<hbm>> -> memref<128x128xf32, #tpu.memory_space<hbm>>
    %dma_start3A_172 = arith.constant 0 : i32
    %dma_start3A_173 = tpu.memref_slice %arg7[%add3A_168, %dma_start3A_172] : memref<10112x128xf32, #tpu.memory_space<vmem_shared>> -> memref<128x128xf32, #tpu.memory_space<vmem_shared>>
    tpu.enqueue_dma source(%dma_start3A_173 : memref<128x128xf32, #tpu.memory_space<vmem_shared>>) target(%dma_start3A_171 : memref<128x128xf32, #tpu.memory_space<hbm>>) target_semaphore(%arg15 : memref<!tpu.dma_semaphore, #tpu.memory_space<semaphore_mem>>)
    %add3A_174 = arith.constant 256 : i32
    %add3A_175 = arith.addi %mul3A_45, %add3A_174 : i32
    %dma_start3A_176 = arith.constant 0 : i32
    %dma_start3A_177 = tpu.memref_slice %arg5[%arg0, %add3A_175, %dma_start3A_176] : memref<2x10112x128xf32, #tpu.memory_space<hbm>> -> memref<1x128x128xf32, #tpu.memory_space<hbm>>
    %dma_start3A_178 = tpu.memref_squeeze %dma_start3A_177 : memref<1x128x128xf32, #tpu.memory_space<hbm>> -> memref<128x128xf32, #tpu.memory_space<hbm>>
    %dma_start3A_179 = arith.constant 0 : i32
    %dma_start3A_180 = tpu.memref_slice %arg7[%add3A_175, %dma_start3A_179] : memref<10112x128xf32, #tpu.memory_space<vmem_shared>> -> memref<128x128xf32, #tpu.memory_space<vmem_shared>>
    tpu.enqueue_dma source(%dma_start3A_180 : memref<128x128xf32, #tpu.memory_space<vmem_shared>>) target(%dma_start3A_178 : memref<128x128xf32, #tpu.memory_space<hbm>>) target_semaphore(%arg15 : memref<!tpu.dma_semaphore, #tpu.memory_space<semaphore_mem>>)
    %add3A_181 = arith.constant 384 : i32
    %add3A_182 = arith.addi %mul3A_45, %add3A_181 : i32
    %dma_start3A_183 = arith.constant 0 : i32
    %dma_start3A_184 = tpu.memref_slice %arg5[%arg0, %add3A_182, %dma_start3A_183] : memref<2x10112x128xf32, #tpu.memory_space<hbm>> -> memref<1x128x128xf32, #tpu.memory_space<hbm>>
    %dma_start3A_185 = tpu.memref_squeeze %dma_start3A_184 : memref<1x128x128xf32, #tpu.memory_space<hbm>> -> memref<128x128xf32, #tpu.memory_space<hbm>>
    %dma_start3A_186 = arith.constant 0 : i32
    %dma_start3A_187 = tpu.memref_slice %arg7[%add3A_182, %dma_start3A_186] : memref<10112x128xf32, #tpu.memory_space<vmem_shared>> -> memref<128x128xf32, #tpu.memory_space<vmem_shared>>
    tpu.enqueue_dma source(%dma_start3A_187 : memref<128x128xf32, #tpu.memory_space<vmem_shared>>) target(%dma_start3A_185 : memref<128x128xf32, #tpu.memory_space<hbm>>) target_semaphore(%arg15 : memref<!tpu.dma_semaphore, #tpu.memory_space<semaphore_mem>>)
    %add3A_188 = arith.constant 512 : i32
    %add3A_189 = arith.addi %mul3A_45, %add3A_188 : i32
    %dma_start3A_190 = arith.constant 0 : i32
    %dma_start3A_191 = tpu.memref_slice %arg5[%arg0, %add3A_189, %dma_start3A_190] : memref<2x10112x128xf32, #tpu.memory_space<hbm>> -> memref<1x120x128xf32, #tpu.memory_space<hbm>>
    %dma_start3A_192 = tpu.memref_squeeze %dma_start3A_191 : memref<1x120x128xf32, #tpu.memory_space<hbm>> -> memref<120x128xf32, #tpu.memory_space<hbm>>
    %dma_start3A_193 = arith.constant 0 : i32
    %dma_start3A_194 = tpu.memref_slice %arg7[%add3A_189, %dma_start3A_193] : memref<10112x128xf32, #tpu.memory_space<vmem_shared>> -> memref<120x128xf32, #tpu.memory_space<vmem_shared>>
    tpu.enqueue_dma source(%dma_start3A_194 : memref<120x128xf32, #tpu.memory_space<vmem_shared>>) target(%dma_start3A_192 : memref<120x128xf32, #tpu.memory_space<hbm>>) target_semaphore(%arg16 : memref<!tpu.dma_semaphore, #tpu.memory_space<semaphore_mem>>)
    %mul3A_195 = arith.constant 640 : i32
    %mul3A_196 = arith.muli %arg1, %mul3A_195 : i32
    %mul3A_197 = arith.constant 10240 : i32
    %mul3A_198 = arith.muli %arg0, %mul3A_197 : i32
    %mul3A_199 = arith.constant 640 : i32
    %mul3A_200 = arith.muli %arg1, %mul3A_199 : i32
    %add3A_201 = arith.addi %mul3A_198, %mul3A_200 : i32
    "tpu.region"() ({
      %run_scoped3A_237 = tpu.sem_alloc : memref<!tpu.dma_semaphore, #tpu.memory_space<semaphore_mem>>
      %dma_start3A_238 = tpu.memref_slice %arg6[%add3A_201] : memref<20480xf32, #tpu.memory_space<hbm>> -> memref<640xf32, #tpu.memory_space<hbm>>
      %dma_start3A_239 = tpu.memref_slice %arg8[%mul3A_196] : memref<10240xf32, #tpu.memory_space<vmem_shared>> -> memref<640xf32, #tpu.memory_space<vmem_shared>>
      tpu.enqueue_dma source(%dma_start3A_239 : memref<640xf32, #tpu.memory_space<vmem_shared>>) target(%dma_start3A_238 : memref<640xf32, #tpu.memory_space<hbm>>) target_semaphore(%run_scoped3A_237 : memref<!tpu.dma_semaphore, #tpu.memory_space<semaphore_mem>>)
      %dma_wait3A_240 = tpu.memref_slice %arg6[%add3A_201] : memref<20480xf32, #tpu.memory_space<hbm>> -> memref<640xf32, #tpu.memory_space<hbm>>
      %dma_wait3A_241 = tpu.memref_slice %arg8[%mul3A_196] : memref<10240xf32, #tpu.memory_space<vmem_shared>> -> memref<640xf32, #tpu.memory_space<vmem_shared>>
      tpu.wait_dma2 semaphore(%run_scoped3A_237 : memref<!tpu.dma_semaphore, #tpu.memory_space<semaphore_mem>>) src(%dma_wait3A_241 : memref<640xf32, #tpu.memory_space<vmem_shared>>) dst(%dma_wait3A_240 : memref<640xf32, #tpu.memory_space<hbm>>)
      tpu.yield
    }) : () -> ()
    %add3A_202 = arith.constant 0 : i32
    %add3A_203 = arith.addi %mul3A_45, %add3A_202 : i32
    %dma_wait3A_204 = arith.constant 0 : i32
    %dma_wait3A_205 = tpu.memref_slice %arg5[%arg0, %add3A_203, %dma_wait3A_204] : memref<2x10112x128xf32, #tpu.memory_space<hbm>> -> memref<1x128x128xf32, #tpu.memory_space<hbm>>
    %dma_wait3A_206 = tpu.memref_squeeze %dma_wait3A_205 : memref<1x128x128xf32, #tpu.memory_space<hbm>> -> memref<128x128xf32, #tpu.memory_space<hbm>>
    %dma_wait3A_207 = arith.constant 0 : i32
    %dma_wait3A_208 = tpu.memref_slice %arg7[%add3A_203, %dma_wait3A_207] : memref<10112x128xf32, #tpu.memory_space<vmem_shared>> -> memref<128x128xf32, #tpu.memory_space<vmem_shared>>
    tpu.wait_dma2 semaphore(%arg15 : memref<!tpu.dma_semaphore, #tpu.memory_space<semaphore_mem>>) src(%dma_wait3A_208 : memref<128x128xf32, #tpu.memory_space<vmem_shared>>) dst(%dma_wait3A_206 : memref<128x128xf32, #tpu.memory_space<hbm>>)
    %add3A_209 = arith.constant 128 : i32
    %add3A_210 = arith.addi %mul3A_45, %add3A_209 : i32
    %dma_wait3A_211 = arith.constant 0 : i32
    %dma_wait3A_212 = tpu.memref_slice %arg5[%arg0, %add3A_210, %dma_wait3A_211] : memref<2x10112x128xf32, #tpu.memory_space<hbm>> -> memref<1x128x128xf32, #tpu.memory_space<hbm>>
    %dma_wait3A_213 = tpu.memref_squeeze %dma_wait3A_212 : memref<1x128x128xf32, #tpu.memory_space<hbm>> -> memref<128x128xf32, #tpu.memory_space<hbm>>
    %dma_wait3A_214 = arith.constant 0 : i32
    %dma_wait3A_215 = tpu.memref_slice %arg7[%add3A_210, %dma_wait3A_214] : memref<10112x128xf32, #tpu.memory_space<vmem_shared>> -> memref<128x128xf32, #tpu.memory_space<vmem_shared>>
    tpu.wait_dma2 semaphore(%arg15 : memref<!tpu.dma_semaphore, #tpu.memory_space<semaphore_mem>>) src(%dma_wait3A_215 : memref<128x128xf32, #tpu.memory_space<vmem_shared>>) dst(%dma_wait3A_213 : memref<128x128xf32, #tpu.memory_space<hbm>>)
    %add3A_216 = arith.constant 256 : i32
    %add3A_217 = arith.addi %mul3A_45, %add3A_216 : i32
    %dma_wait3A_218 = arith.constant 0 : i32
    %dma_wait3A_219 = tpu.memref_slice %arg5[%arg0, %add3A_217, %dma_wait3A_218] : memref<2x10112x128xf32, #tpu.memory_space<hbm>> -> memref<1x128x128xf32, #tpu.memory_space<hbm>>
    %dma_wait3A_220 = tpu.memref_squeeze %dma_wait3A_219 : memref<1x128x128xf32, #tpu.memory_space<hbm>> -> memref<128x128xf32, #tpu.memory_space<hbm>>
    %dma_wait3A_221 = arith.constant 0 : i32
    %dma_wait3A_222 = tpu.memref_slice %arg7[%add3A_217, %dma_wait3A_221] : memref<10112x128xf32, #tpu.memory_space<vmem_shared>> -> memref<128x128xf32, #tpu.memory_space<vmem_shared>>
    tpu.wait_dma2 semaphore(%arg15 : memref<!tpu.dma_semaphore, #tpu.memory_space<semaphore_mem>>) src(%dma_wait3A_222 : memref<128x128xf32, #tpu.memory_space<vmem_shared>>) dst(%dma_wait3A_220 : memref<128x128xf32, #tpu.memory_space<hbm>>)
    %add3A_223 = arith.constant 384 : i32
    %add3A_224 = arith.addi %mul3A_45, %add3A_223 : i32
    %dma_wait3A_225 = arith.constant 0 : i32
    %dma_wait3A_226 = tpu.memref_slice %arg5[%arg0, %add3A_224, %dma_wait3A_225] : memref<2x10112x128xf32, #tpu.memory_space<hbm>> -> memref<1x128x128xf32, #tpu.memory_space<hbm>>
    %dma_wait3A_227 = tpu.memref_squeeze %dma_wait3A_226 : memref<1x128x128xf32, #tpu.memory_space<hbm>> -> memref<128x128xf32, #tpu.memory_space<hbm>>
    %dma_wait3A_228 = arith.constant 0 : i32
    %dma_wait3A_229 = tpu.memref_slice %arg7[%add3A_224, %dma_wait3A_228] : memref<10112x128xf32, #tpu.memory_space<vmem_shared>> -> memref<128x128xf32, #tpu.memory_space<vmem_shared>>
    tpu.wait_dma2 semaphore(%arg15 : memref<!tpu.dma_semaphore, #tpu.memory_space<semaphore_mem>>) src(%dma_wait3A_229 : memref<128x128xf32, #tpu.memory_space<vmem_shared>>) dst(%dma_wait3A_227 : memref<128x128xf32, #tpu.memory_space<hbm>>)
    %add3A_230 = arith.constant 512 : i32
    %add3A_231 = arith.addi %mul3A_45, %add3A_230 : i32
    %dma_wait3A_232 = arith.constant 0 : i32
    %dma_wait3A_233 = tpu.memref_slice %arg5[%arg0, %add3A_231, %dma_wait3A_232] : memref<2x10112x128xf32, #tpu.memory_space<hbm>> -> memref<1x120x128xf32, #tpu.memory_space<hbm>>
    %dma_wait3A_234 = tpu.memref_squeeze %dma_wait3A_233 : memref<1x120x128xf32, #tpu.memory_space<hbm>> -> memref<120x128xf32, #tpu.memory_space<hbm>>
    %dma_wait3A_235 = arith.constant 0 : i32
    %dma_wait3A_236 = tpu.memref_slice %arg7[%add3A_231, %dma_wait3A_235] : memref<10112x128xf32, #tpu.memory_space<vmem_shared>> -> memref<120x128xf32, #tpu.memory_space<vmem_shared>>
    tpu.wait_dma2 semaphore(%arg16 : memref<!tpu.dma_semaphore, #tpu.memory_space<semaphore_mem>>) src(%dma_wait3A_236 : memref<120x128xf32, #tpu.memory_space<vmem_shared>>) dst(%dma_wait3A_234 : memref<120x128xf32, #tpu.memory_space<hbm>>)
    return
  }
}

module attributes {stable_mosaic.version = 14 : i64} {
  func.func @body(%arg0: i32, %arg1: memref<2000x128xf32, #tpu.memory_space<vmem>>, %arg2: memref<128x128xf32, #tpu.memory_space<vmem>>, %arg3: memref<1x128xf32, #tpu.memory_space<vmem>>, %arg4: memref<2000x128xf32, #tpu.memory_space<vmem>>) attributes {dimension_semantics = [#tpu.dimension_semantics<arbitrary>], iteration_bounds = array<i64: 5>, scalar_prefetch = 0 : i64, scratch_operands = 0 : i64, tpu.core_type = #tpu.core_type<tc>, window_params = [{transform_indices = @transform_0, window_bounds = array<i64: 2000, 128>}, {pipeline_mode = #tpu.pipeline_mode<synchronous>, transform_indices = @transform_1, window_bounds = array<i64: 128, 128>}, {pipeline_mode = #tpu.pipeline_mode<synchronous>, transform_indices = @transform_2, window_bounds = array<i64: 1, 128>}, {transform_indices = @transform_3, window_bounds = array<i64: 2000, 128>}]} {
    %get3A = arith.constant 0 : index
    %get3A_0 = arith.constant 0 : index
    %get3A_1 = vector.load %arg1[%get3A, %get3A_0] : memref<2000x128xf32, #tpu.memory_space<vmem>>, vector<2000x128xf32>
    %get3A_2 = arith.constant 0 : index
    %get3A_3 = arith.constant 0 : index
    %get3A_4 = vector.load %arg2[%get3A_2, %get3A_3] : memref<128x128xf32, #tpu.memory_space<vmem>>, vector<128x128xf32>
    %dot_general3A = arith.constant dense<0.000000e+00> : vector<2000x128xf32>
    %dot_general3A_5 = tpu.matmul %get3A_1, %get3A_4, %dot_general3A {dimension_numbers = #tpu.dot_dimension_numbers<[1], [0], [0], [1], [0, 0, 1, 1], [], []>, transpose_lhs_hint = false} : vector<2000x128xf32>, vector<128x128xf32>, vector<2000x128xf32> -> vector<2000x128xf32>
    %get3A_6 = arith.constant 0 : index
    %get3A_7 = arith.constant 0 : index
    %get3A_8 = vector.load %arg3[%get3A_6, %get3A_7] : memref<1x128xf32, #tpu.memory_space<vmem>>, vector<1x128xf32>
    %add3A = vector.broadcast %get3A_8 : vector<1x128xf32> to vector<2000x128xf32>
    %add3A_9 = arith.addf %dot_general3A_5, %add3A : vector<2000x128xf32>
    %swap3A = arith.constant 0 : index
    %swap3A_10 = arith.constant 0 : index
    %swap3A_11 = vector.load %arg4[%swap3A, %swap3A_10] : memref<2000x128xf32, #tpu.memory_space<vmem>>, vector<2000x128xf32>
    tpu.vector_store %arg4[%swap3A, %swap3A_10], %add3A_9 {strides = array<i32>} : memref<2000x128xf32, #tpu.memory_space<vmem>>, vector<2000x128xf32>,
    return
  }
  func.func @transform_0(%arg0: i32) -> (i32, i32) {
    %c0_i32 = arith.constant 0 : i32
    %c0_i32_0 = arith.constant 0 : i32
    return %arg0, %c0_i32 : i32, i32
  }
  func.func @transform_1(%arg0: i32) -> (i32, i32) {
    %c0_i32 = arith.constant 0 : i32
    %c0_i32_0 = arith.constant 0 : i32
    %c0_i32_1 = arith.constant 0 : i32
    return %c0_i32, %c0_i32_0 : i32, i32
  }
  func.func @transform_2(%arg0: i32) -> (i32, i32) {
    %c0_i32 = arith.constant 0 : i32
    %c0_i32_0 = arith.constant 0 : i32
    %c0_i32_1 = arith.constant 0 : i32
    return %c0_i32, %c0_i32_0 : i32, i32
  }
  func.func @transform_3(%arg0: i32) -> (i32, i32) {
    %c0_i32 = arith.constant 0 : i32
    %c0_i32_0 = arith.constant 0 : i32
    return %arg0, %c0_i32 : i32, i32
  }
}

module attributes {stable_mosaic.version = 14 : i64} {
  func.func @body(%arg0: i32, %arg1: memref<5000x128xf32, #tpu.memory_space<vmem>>, %arg2: memref<2x5000x128xf32, #tpu.memory_space<vmem>>, %arg3: memref<2x5000x1xf32, #tpu.memory_space<vmem>>, %arg4: memref<128x128xf32, #tpu.memory_space<vmem>>, %arg5: memref<1x128xf32, #tpu.memory_space<vmem>>, %arg6: memref<1x128xf32, #tpu.memory_space<vmem>>, %arg7: memref<5000x128xf32, #tpu.memory_space<vmem>>) attributes {dimension_semantics = [#tpu.dimension_semantics<arbitrary>], iteration_bounds = array<i64: 2>, scalar_prefetch = 0 : i64, scratch_operands = 0 : i64, tpu.core_type = #tpu.core_type<tc>, window_params = [{transform_indices = @transform_0, window_bounds = array<i64: 5000, 128>}, {transform_indices = @transform_1, window_bounds = array<i64: 2, 5000, 128>}, {transform_indices = @transform_2, window_bounds = array<i64: 2, 5000, 1>}, {pipeline_mode = #tpu.pipeline_mode<synchronous>, transform_indices = @transform_3, window_bounds = array<i64: 128, 128>}, {pipeline_mode = #tpu.pipeline_mode<synchronous>, transform_indices = @transform_4, window_bounds = array<i64: 1, 128>}, {pipeline_mode = #tpu.pipeline_mode<synchronous>, transform_indices = @transform_5, window_bounds = array<i64: 1, 128>}, {transform_indices = @transform_6, window_bounds = array<i64: 5000, 128>}]} {
    %get3A = arith.constant 0 : index
    %get3A_0 = arith.constant 0 : index
    %get3A_1 = arith.constant 0 : index
    %get3A_2 = vector.load %arg2[%get3A, %get3A_0, %get3A_1] : memref<2x5000x128xf32, #tpu.memory_space<vmem>>, vector<1x5000x128xf32>
    %get3A_3 = vector.shape_cast %get3A_2 : vector<1x5000x128xf32> to vector<5000x128xf32>
    %get3A_4 = arith.constant 1 : index
    %get3A_5 = arith.constant 0 : index
    %get3A_6 = arith.constant 0 : index
    %get3A_7 = vector.load %arg2[%get3A_4, %get3A_5, %get3A_6] : memref<2x5000x128xf32, #tpu.memory_space<vmem>>, vector<1x5000x128xf32>
    %get3A_8 = vector.shape_cast %get3A_7 : vector<1x5000x128xf32> to vector<5000x128xf32>
    %add3A = arith.addf %get3A_3, %get3A_8 : vector<5000x128xf32>
    %get3A_9 = arith.constant 0 : index
    %get3A_10 = arith.constant 0 : index
    %get3A_11 = arith.constant 0 : index
    %get3A_12 = vector.load %arg3[%get3A_9, %get3A_10, %get3A_11] : memref<2x5000x1xf32, #tpu.memory_space<vmem>>, vector<1x5000x1xf32>
    %get3A_13 = vector.shape_cast %get3A_12 : vector<1x5000x1xf32> to vector<5000x1xf32>
    %get3A_14 = arith.constant 1 : index
    %get3A_15 = arith.constant 0 : index
    %get3A_16 = arith.constant 0 : index
    %get3A_17 = vector.load %arg3[%get3A_14, %get3A_15, %get3A_16] : memref<2x5000x1xf32, #tpu.memory_space<vmem>>, vector<1x5000x1xf32>
    %get3A_18 = vector.shape_cast %get3A_17 : vector<1x5000x1xf32> to vector<5000x1xf32>
    %add3A_19 = arith.addf %get3A_13, %get3A_18 : vector<5000x1xf32>
    %max3A = arith.constant 1.000000e+00 : f32
    %max3A_20 = vector.broadcast %max3A : f32 to vector<5000x1xf32>
    %max3A_21 = arith.maximumf %add3A_19, %max3A_20 : vector<5000x1xf32>
    %div3A = vector.broadcast %max3A_21 : vector<5000x1xf32> to vector<5000x128xf32>
    %div3A_22 = arith.divf %add3A, %div3A : vector<5000x128xf32>
    %get3A_23 = arith.constant 0 : index
    %get3A_24 = arith.constant 0 : index
    %get3A_25 = vector.load %arg1[%get3A_23, %get3A_24] : memref<5000x128xf32, #tpu.memory_space<vmem>>, vector<5000x128xf32>
    %get3A_26 = arith.constant 0 : index
    %get3A_27 = arith.constant 0 : index
    %get3A_28 = vector.load %arg4[%get3A_26, %get3A_27] : memref<128x128xf32, #tpu.memory_space<vmem>>, vector<128x128xf32>
    %dot_general3A = arith.constant dense<0.000000e+00> : vector<5000x128xf32>
    %dot_general3A_29 = tpu.matmul %div3A_22, %get3A_28, %dot_general3A {dimension_numbers = #tpu.dot_dimension_numbers<[1], [0], [0], [1], [0, 0, 1, 1], [], []>, transpose_lhs_hint = false} : vector<5000x128xf32>, vector<128x128xf32>, vector<5000x128xf32> -> vector<5000x128xf32>
    %add3A_30 = arith.addf %get3A_25, %dot_general3A_29 : vector<5000x128xf32>
    %reduce_sum3A = arith.constant dense<0.000000e+00> : vector<5000xf32>
    %reduce_sum3A_31 = vector.multi_reduction <add>, %add3A_30, %reduce_sum3A [1] : vector<5000x128xf32> to vector<5000xf32>
    %broadcast_in_dim3A = vector.shape_cast %reduce_sum3A_31 : vector<5000xf32> to vector<5000x1xf32>
    %div3A_32 = arith.constant 1.280000e+02 : f32
    %div3A_33 = vector.broadcast %div3A_32 : f32 to vector<5000x1xf32>
    %div3A_34 = arith.divf %broadcast_in_dim3A, %div3A_33 : vector<5000x1xf32>
    %sub3A = vector.broadcast %div3A_34 : vector<5000x1xf32> to vector<5000x128xf32>
    %sub3A_35 = arith.subf %add3A_30, %sub3A : vector<5000x128xf32>
    %integer_pow3A = arith.mulf %sub3A_35, %sub3A_35 : vector<5000x128xf32>
    %reduce_sum3A_36 = arith.constant dense<0.000000e+00> : vector<5000xf32>
    %reduce_sum3A_37 = vector.multi_reduction <add>, %integer_pow3A, %reduce_sum3A_36 [1] : vector<5000x128xf32> to vector<5000xf32>
    %broadcast_in_dim3A_38 = vector.shape_cast %reduce_sum3A_37 : vector<5000xf32> to vector<5000x1xf32>
    %div3A_39 = arith.constant 1.280000e+02 : f32
    %div3A_40 = vector.broadcast %div3A_39 : f32 to vector<5000x1xf32>
    %div3A_41 = arith.divf %broadcast_in_dim3A_38, %div3A_40 : vector<5000x1xf32>
    %sub3A_42 = vector.broadcast %div3A_34 : vector<5000x1xf32> to vector<5000x128xf32>
    %sub3A_43 = arith.subf %add3A_30, %sub3A_42 : vector<5000x128xf32>
    %add3A_44 = arith.constant 9.99999974E-6 : f32
    %add3A_45 = vector.broadcast %add3A_44 : f32 to vector<5000x1xf32>
    %add3A_46 = arith.addf %div3A_41, %add3A_45 : vector<5000x1xf32>
    %rsqrt3A = math.rsqrt %add3A_46 : vector<5000x1xf32>
    %mul3A = vector.broadcast %rsqrt3A : vector<5000x1xf32> to vector<5000x128xf32>
    %mul3A_47 = arith.mulf %sub3A_43, %mul3A : vector<5000x128xf32>
    %get3A_48 = arith.constant 0 : index
    %get3A_49 = arith.constant 0 : index
    %get3A_50 = vector.load %arg5[%get3A_48, %get3A_49] : memref<1x128xf32, #tpu.memory_space<vmem>>, vector<1x128xf32>
    %mul3A_51 = vector.broadcast %get3A_50 : vector<1x128xf32> to vector<5000x128xf32>
    %mul3A_52 = arith.mulf %mul3A_47, %mul3A_51 : vector<5000x128xf32>
    %get3A_53 = arith.constant 0 : index
    %get3A_54 = arith.constant 0 : index
    %get3A_55 = vector.load %arg6[%get3A_53, %get3A_54] : memref<1x128xf32, #tpu.memory_space<vmem>>, vector<1x128xf32>
    %add3A_56 = vector.broadcast %get3A_55 : vector<1x128xf32> to vector<5000x128xf32>
    %add3A_57 = arith.addf %mul3A_52, %add3A_56 : vector<5000x128xf32>
    %mul3A_58 = arith.constant 5.000000e-01 : f32
    %mul3A_59 = vector.broadcast %mul3A_58 : f32 to vector<5000x128xf32>
    %mul3A_60 = arith.mulf %mul3A_59, %add3A_57 : vector<5000x128xf32>
    %mul3A_61 = arith.constant 0.707106769 : f32
    %mul3A_62 = vector.broadcast %mul3A_61 : f32 to vector<5000x128xf32>
    %mul3A_63 = arith.mulf %add3A_57, %mul3A_62 : vector<5000x128xf32>
    %erf3A = math.erf %mul3A_63 : vector<5000x128xf32>
    %add3A_64 = arith.constant 1.000000e+00 : f32
    %add3A_65 = vector.broadcast %add3A_64 : f32 to vector<5000x128xf32>
    %add3A_66 = arith.addf %add3A_65, %erf3A : vector<5000x128xf32>
    %mul3A_67 = arith.mulf %mul3A_60, %add3A_66 : vector<5000x128xf32>
    %swap3A = arith.constant 0 : index
    %swap3A_68 = arith.constant 0 : index
    %swap3A_69 = vector.load %arg7[%swap3A, %swap3A_68] : memref<5000x128xf32, #tpu.memory_space<vmem>>, vector<5000x128xf32>
    tpu.vector_store %arg7[%swap3A, %swap3A_68], %mul3A_67 {strides = array<i32>} : memref<5000x128xf32, #tpu.memory_space<vmem>>, vector<5000x128xf32>,
    return
  }
  func.func @transform_0(%arg0: i32) -> (i32, i32) {
    %c0_i32 = arith.constant 0 : i32
    %c0_i32_0 = arith.constant 0 : i32
    return %arg0, %c0_i32 : i32, i32
  }
  func.func @transform_1(%arg0: i32) -> (i32, i32, i32) {
    %c0_i32 = arith.constant 0 : i32
    %c0_i32_0 = arith.constant 0 : i32
    %c0_i32_1 = arith.constant 0 : i32
    return %c0_i32, %arg0, %c0_i32_0 : i32, i32, i32
  }
  func.func @transform_2(%arg0: i32) -> (i32, i32, i32) {
    %c0_i32 = arith.constant 0 : i32
    %c0_i32_0 = arith.constant 0 : i32
    %c0_i32_1 = arith.constant 0 : i32
    return %c0_i32, %arg0, %c0_i32_0 : i32, i32, i32
  }
  func.func @transform_3(%arg0: i32) -> (i32, i32) {
    %c0_i32 = arith.constant 0 : i32
    %c0_i32_0 = arith.constant 0 : i32
    %c0_i32_1 = arith.constant 0 : i32
    return %c0_i32, %c0_i32_0 : i32, i32
  }
  func.func @transform_4(%arg0: i32) -> (i32, i32) {
    %c0_i32 = arith.constant 0 : i32
    %c0_i32_0 = arith.constant 0 : i32
    %c0_i32_1 = arith.constant 0 : i32
    return %c0_i32, %c0_i32_0 : i32, i32
  }
  func.func @transform_5(%arg0: i32) -> (i32, i32) {
    %c0_i32 = arith.constant 0 : i32
    %c0_i32_0 = arith.constant 0 : i32
    %c0_i32_1 = arith.constant 0 : i32
    return %c0_i32, %c0_i32_0 : i32, i32
  }
  func.func @transform_6(%arg0: i32) -> (i32, i32) {
    %c0_i32 = arith.constant 0 : i32
    %c0_i32_0 = arith.constant 0 : i32
    return %arg0, %c0_i32 : i32, i32
  }
}

</mosaic_0001>

<sc_bundles>
// kernel: kernel.5.cloned.1.call-start
scs
__scs_entry_jumppad:
0x0: {  	(pc) =	sbr.rel $0x88, $3  }
0x1: {  	(tag) =	ssettag $0x0;
	lr =	simm.s32 $0x1  }
0x2: {  	[smem:$0x3F9B] =	sst lr;
	_ =	strace $0xD0000000  }
0x3: {  	_ = 	snop  }
0x4: {  	_ = 	snop  }
0x5: {  	_ = 	snop  }
0x6: {  	_ = 	snop  }
0x7: {  	_ = 	snop  }
__scs_overlays_trampoline_lowered:
0x8: {  	[smem:$0x3FAA] =	sst s0  }
0x9: {  	[smem:$0x3FAB] =	sst s1  }
0xa: {  	[smem:$0x3FAC] =	sst s2  }
0xb: {  	[smem:$0x3FAD] =	sst s3  }
0xc: {  	[smem:$0x3FAE] =	sst s4  }
0xd: {  	[smem:$0x3FAF] =	sst s5  }
0xe: {  	[smem:$0x3FB0] =	sst s6  }
0xf: {  	[smem:$0x3FB1] =	sst s7  }
0x10: {  	[smem:$0x3FB2] =	sst s8  }
0x11: {  	[smem:$0x3FB3] =	sst s9;
	s0 =	simm.s32 @!p0 $0x0  }
0x12: {  	s1 =	sld [smem:$0x3F99];
	s0 =	simm.s32 @p0 $0x1  }
0x13: {  	[smem:$0x3FB4] =	sst s0;
	s0 =	simm.s32 @!p1 $0x0  }
0x14: {  	s2 =	sld [smem:$0x3F98];
	s0 =	simm.s32 @p1 $0x1  }
0x15: {  	[smem:$0x3FB5] =	sst s0;
	s0 =	simm.s32 @!p2 $0x0  }
0x16: {  	s3 =	sld [smem:$0x3FDB];
	s0 =	simm.s32 @p2 $0x1  }
0x17: {  	s4 =	simm.s32 $0x1BF5;
	[smem:$0x3FB7] =	sst s0  }
0x18: {  	s0 =	sld [smem:$0x3F9A];
	_ =	swait.ge [sflag:s4], $0x0  }
0x19: {  	s7 =	sld [smem:$0x3F9B]  }
0x1a: {  	s8 =	sadd.s32 $0xFFFFE003, lr  }
0x1b: {  	s9 =	sadd.s32 $0xFFFFFEF7, lr;
	s5 =	simm.s32 $0xFFFFFFFF;
	p2 =	slt.u32 s8, $0xFFFFF086  }
0x1c: {  	p1 =	slt.u32 s9, $0xF7A;
	s5 =	simm.s32 @!p2 $0x0  }
0x1d: {  	s5 =	simm.s32 @p1 $0x1;
	p0 =	seq.s32 s7, s2  }
0x1e: {  	s7 =	smul.u32 @!p0 $0xF7A, s2;
	p2 =	seq.s32 @!p0 s5, $0x0  }
0x1f: {  	s9 =	smul.u32 $0xF7A, s1;
	s8 =	simm.s32 @!p0 $0x1BF5;
	p2 =	por !p2, p0  }
0x20: {  	[sflag:s8] =	ssyncset.s32 @!p0 $0xFFFFF086;
	s6 =	sadd.s32 @!p0 s3, s7;
	s7 =	simm.s32 @!p0 $0x108  }
0x21: {  	s3 =	sadd.s32 s3, s9;
	s6 =	sadd.s32 @!p0 $0x88, s6;
	s7 =	simm.s32 @p2 $0x1082  }
0x22: {  	[simem:s7], [sflag:s8] =	dma.local @!p0 [hbm:s6], $0xF7A  }
0x23: {  	s9 =	sor.u32 $0xD0000000, s2;
	s6 =	simm.s32 $0x108;
	_ =	swait.ge @!p0 [sflag:s8], $0x0  }
0x24: {  	s3 =	sadd.s32 $0x88, s3;
	s6 =	simm.s32 @!p1 $0x1082;
	[sflag:s4] =	ssyncset.s32 $0xFFFFF086  }
0x25: {  	[simem:s6], [sflag:s4] =	dma.local [hbm:s3], $0xF7A  }
0x26: {  	[smem:$0x3F9B] =	sst s1;
	(tag) =	ssettag s2;
	_ =	strace s9  }
0x27: {  	s1 =	sld [smem:$0x3FAB]  }
0x28: {  	s2 =	sld [smem:$0x3FAC]  }
0x29: {  	s4 =	sld [smem:$0x3FAE]  }
0x2a: {  	p0 =	seq.s32 s5, $0x0;
	s5 =	sld [smem:$0x3FAF]  }
0x2b: {  	s6 =	sld [smem:$0x3FB0]  }
0x2c: {  	s7 =	sld [smem:$0x3FB1]  }
0x2d: {  	s3 =	simm.s32 $0x108;
	s8 =	sld [smem:$0x3FB2]  }
0x2e: {  	s3 =	simm.s32 @!p0 $0x1082;
	s9 =	sld [smem:$0x3FB3]  }
0x2f: {  	lr =	sadd.s32 s0, s3;
	s0 =	sld [smem:$0x3FAA]  }
0x30: {  	s3 =	sld [smem:$0x3FAD]  }
0x31: {  	[smem:$0x3FB6] =	sst s10  }
0x32: {  	s10 =	sld [smem:$0x3FB4];
	_ =	sdelay $0x3  }
0x33: {  	p0 =	seq.s32 s10, $0x1;
	s10 =	sld [smem:$0x3FB6];
	_ =	sdelay $0x3  }
0x34: {  	[smem:$0x3FB6] =	sst s10  }
0x35: {  	s10 =	sld [smem:$0x3FB5];
	_ =	sdelay $0x3  }
0x36: {  	p1 =	seq.s32 s10, $0x1;
	s10 =	sld [smem:$0x3FB6];
	_ =	sdelay $0x3  }
0x37: {  	[smem:$0x3FB6] =	sst s10  }
0x38: {  	s10 =	sld [smem:$0x3FB7]  }
0x39: {  	_ = 	snop;
	(pc) =	sbr.ind lr, $3  }
0x3a: {  	_ = 	snop  }
0x3b: {  	_ = 	snop  }
0x3c: {  	p2 =	seq.s32 s10, $0x1;
	s10 =	sld [smem:$0x3FB6]  }
0x3d: {  	_ =	shalt  }
0x3e: {  	_ =	shalt  }
0x3f: {  	_ =	shalt  }
0x40: {  	_ =	shalt  }
0x41: {  	_ =	shalt  }
0x42: {  	_ =	shalt  }
0x43: {  	_ =	shalt  }
0x44: {  	_ =	shalt  }
0x45: {  	_ =	shalt  }
0x46: {  	_ =	shalt  }
0x47: {  	_ =	shalt  }
0x48: {  	_ =	shalt  }
0x49: {  	_ =	shalt  }
0x4a: {  	_ =	shalt  }
0x4b: {  	_ =	shalt  }
0x4c: {  	_ =	shalt  }
0x4d: {  	_ =	shalt  }
0x4e: {  	_ =	shalt  }
0x4f: {  	_ =	shalt  }
0x50: {  	_ =	shalt  }
0x51: {  	_ =	shalt  }
0x52: {  	_ =	shalt  }
0x53: {  	_ =	shalt  }
0x54: {  	_ =	shalt  }
0x55: {  	_ =	shalt  }
0x56: {  	_ =	shalt  }
0x57: {  	_ =	shalt  }
0x58: {  	_ =	shalt  }
0x59: {  	_ =	shalt  }
0x5a: {  	_ =	shalt  }
0x5b: {  	_ =	shalt  }
0x5c: {  	_ =	shalt  }
0x5d: {  	_ =	shalt  }
0x5e: {  	_ =	shalt  }
0x5f: {  	_ =	shalt  }
0x60: {  	_ =	shalt  }
0x61: {  	_ =	shalt  }
0x62: {  	_ =	shalt  }
0x63: {  	_ =	shalt  }
0x64: {  	_ =	shalt  }
0x65: {  	_ =	shalt  }
0x66: {  	_ =	shalt  }
0x67: {  	_ =	shalt  }
0x68: {  	_ =	shalt  }
0x69: {  	_ =	shalt  }
0x6a: {  	_ =	shalt  }
0x6b: {  	_ =	shalt  }
0x6c: {  	_ =	shalt  }
0x6d: {  	_ =	shalt  }
0x6e: {  	_ =	shalt  }
0x6f: {  	_ =	shalt  }
0x70: {  	_ =	shalt  }
0x71: {  	_ =	shalt  }
0x72: {  	_ =	shalt  }
0x73: {  	_ =	shalt  }
0x74: {  	_ =	shalt  }
0x75: {  	_ =	shalt  }
0x76: {  	_ =	shalt  }
0x77: {  	_ =	shalt  }
0x78: {  	_ =	shalt  }
0x79: {  	_ =	shalt  }
0x7a: {  	_ =	shalt  }
0x7b: {  	_ =	shalt  }
0x7c: {  	_ =	shalt  }
0x7d: {  	_ =	shalt  }
0x7e: {  	_ =	shalt  }
0x7f: {  	_ =	shalt  }
0x80: {  	_ =	shalt  }
0x81: {  	_ =	shalt  }
0x82: {  	_ =	shalt  }
0x83: {  	_ =	shalt  }
0x84: {  	_ =	shalt  }
0x85: {  	_ =	shalt  }
0x86: {  	_ =	shalt  }
0x87: {  	_ =	shalt  }
.Lfunc_end0:
.L_simem_size_0:
called_computation_lowered:
.L_overlay_start_0:
0x88: {  	s2 =	sld [smem:$0x3FD9]  }
0x89: {  	s3 =	sld [smem:$0x3FFE];
	_ =	sdelay $0x1  }
0x8a: {  	s1 =	srdreg.scid  }
0x8b: {  	s0 =	sand.u32 $0x1, s1  }
0x8c: {  	s17 =	sshll.u32 s0, $0xA;
	s2 =	sadd.s32 s3, s2  }
0x8d: {  	s2 =	sadd.s32 s2, s17  }
0x8e: {  	[smem:$0x3FC2] =	sst s2  }
0x8f: {  	_ = 	snop  }
0x90: {  	s2 =	sld [smem:$0x3FC9]  }
0x91: {  	s18 =	sld [smem:$0x3FD0];
	(tm) =	ssettm $0x1  }
0x92: {  	s4 =	sld [smem:$0x3FFB];
	_ =	sdelay $0x3  }
0x93: {  	_ =	strace s4  }
0x94: {  	s4 =	sld [smem:$0x3FFC];
	_ =	sdelay $0x3  }
0x95: {  	_ =	strace s4  }
0x96: {  	s4 =	sld [smem:$0x3FFD];
	_ =	sdelay $0x3  }
0x97: {  	_ =	strace s4  }
0x98: {  	_ =	strace $0x8FFFFFFF  }
0x99: {  	s19 =	sld [smem:$0x3FDB];
	_ =	sdelay $0x1  }
0x9a: {  	s5 =	simm.s32 $_scs_section_size  }
0x9b: {  	s6 =	simm.s32 $_size__tile_overlayer_lowered;
	s7 =	simm.s32 $_tile_overlayer_lowered  }
0x9c: {  	s22 =	simm.s32 $0x1BFF;
	s21 =	sshll.u32 s7, $0x1;
	s4 =	sadd.s32 s5, s19  }
0x9d: {  	s8 =	simm.s32 $0x0;
	s20 =	sshll.u32 s6, $0x1;
	s6 =	sadd.s32 s21, s4  }
0x9e: {  	[timem:s8], [sflag:s22] =	dma.local [hbm:s6], s20  }
0x9f: {  	_ =	swait.ge [sflag:s22], s20  }
0xa0: {  	s5 =	ssub.s32 $0x0, s20;
	[sflag:s22] =	ssyncset.done $0x0  }
0xa1: {  	[sflag:s22] =	ssyncadd.s32 s5;
	_ =	sdelay $0x1  }
0xa2: {  	s23 =	simm.s32 $0x1B8B  }
0xa3: {  	_ =	swait.ge [sflag:s23], $0x1  }
0xa4: {  	[sflag:s23] =	ssyncset.done $0x0  }
0xa5: {  	s25 =	simm.s32 $0x1B8E;
	s24 =	sld [smem:$0x3FFE];
	[sflag:s23] =	ssyncadd.s32 $0xFFFFFFFF  }
0xa6: {  	s26 =	simm.s32 $execute0_lowered;
	[smem:$0x3FD2] =	sst s25  }
0xa7: {  	s6 =	sshll.u32 s26, $0x1;
	_ =	strace $0x80000046;
	[dreg:$0x1] =	wrdreg $0xFFFFFFFF  }
0xa8: {  	s28 =	simm.s32 $_size_execute0_lowered;
	s4 =	sadd.s32 s4, s6;
	[dreg:$0x0] =	wrdreg $0x0  }
0xa9: {  	s6 =	sshll.u32 s28, $0x1;
	[dreg:$0x2] =	wrdreg s4  }
0xaa: {  	[dreg:$0x3] =	wrdreg s6  }
0xab: {  	[dreg:$0x4] =	wrdreg $0xC0  }
0xac: {  	_ =	task [dreg:s8], $0x5FFFF  }
0xad: {  	[dreg:$0x1] =	wrdreg $0xFFFFFFFF  }
0xae: {  	[dreg:$0x0] =	wrdreg $0x60  }
0xaf: {  	[dreg:$0x2] =	wrdreg s2  }
0xb0: {  	[dreg:$0x3] =	wrdreg s18  }
0xb1: {  	[dreg:$0x4] =	wrdreg s24  }
0xb2: {  	[dreg:$0x5] =	wrdreg $0x0  }
0xb3: {  	[dreg:$0x6] =	wrdreg $0x13C000  }
0xb4: {  	[dreg:$0x7] =	wrdreg $0x9  }
0xb5: {  	_ =	task.clear_ibuf [dreg:s8], $0x8FFFF;
	_ =	strace $0x90000046  }
0xb6: {  	s29 =	simm.s32 $0x9;
	_ =	strace $0x80000048  }
0xb7: {  	_ =	swait.ge [sflag:s29], $0x1  }
0xb8: {  	[sflag:s29] =	ssyncadd.s32 $0xFFFFFFFF  }
0xb9: {  	_ =	strace $0x90000048  }
0xba: {  	_ =	sfence  }
0xbb: {  	s30 =	sld [smem:$0x0];
	_ =	sdelay $0x2  }
0xbc: {  	s31 =	sshll.u32 s1, $0xD;
	s1 =	sshrl.u32 s1, $0x2  }
0xbd: {  	s3 =	sand.u32 $0x4000, s31;
	s1 =	sadd.s32 s1, s30  }
0xbe: {  	s0 =	sor.u32 s3, s0;
	s1 =	sshll.u32 s1, $0x11  }
0xbf: {  	s0 =	sor.u32 s1, s0  }
0xc0: {  	s0 =	sadd.s32 $0x8F2B, s0  }
0xc1: {  	[sflag:s0] =	ssyncadd.remote.s32 $0x1  }
0xc2: {  	_ =	sfence.sel $0xFFFF  }
0xc3: {  	[dreg:$0x0] =	wrdreg $0xFFFFFFFF;
	(pc) =	sbr.abs _section_cstart, $3  }
0xc4: {  	[dreg:$0x1] =	wrdreg $0xFFFFFFFF  }
0xc5: {  	_ =	task.clear_ibuf [dreg:s8], $0x2FFFF;
	_ =	strace $0x9FFFFFFF  }
0xc6: {  	(tm) =	ssettm $0x7FFFFFFF  }
0xc7: {  	_ =	shalt  }
tec
execute0_lowered:
.L_overlay_start_1:
0x0: {  	(tag) =	ssettag $0x1  }
0x1: {  	s1 =	rddreg [dreg:$0x0]  }
0x2: {  	s0 =	rddreg [dreg:$0x1]  }
0x3: {  	s2 =	rddreg [dreg:$0x2]  }
0x4: {  	s3 =	rddreg [dreg:$0x3]  }
0x5: {  	s4 =	rddreg [dreg:$0x4];
	s6 =	srdreg.scid  }
0x6: {  	s10 =	stileid.u32;
	s5 =	simm.s32 $0x0;
	s28 =	simm.s32 $0x15280  }
0x7: {  	s29 =	simm.s32 $0x80;
	s30 =	simm.s32 $0x1;
	s11 =	smul.u32 $0x280, s10  }
0x8: {  	s31 =	simm.s32 $0x1A680;
	s12 =	sand.u32 $0x1, s6;
	s8 =	smul.u32 $0x4F000, s10  }
0x9: {  	[smem:$0x7FF] =	sst s5;
	s13 =	sadd.s32 $0x1600, s2;
	s15 =	smul.u32 $0x13C00, s10  }
0xa: {  	s14 =	sadd.s32 $0xC000, s2;
	s6 =	smul.u32 $0x2800, s12;
	_ =	strace $0x80000047  }
0xb: {  	s7 =	ssub.s32 $0x2, s12;
	s23 =	sshll.u32 s12, $0x4;
	s12 =	smul.u32 $0x13C000, s12  }
0xc: {  	s9 =	sshrl.u32 s7, $0x1;
	s24 =	sor.u32 s10, s23;
	s25 =	sshrl.u32 s8, $0x2  }
0xd: {  	s17 =	sadd.s32 $0x4000, s15;
	s18 =	sadd.s32 $0x8000, s15;
	s19 =	sadd.s32 $0xC000, s15  }
0xe: {  	s20 =	sadd.s32 $0x10000, s15;
	s6 =	sadd.s32 s11, s6;
	s16 =	ssub.s32 s7, s9  }
0xf: {  	s7 =	sadd.s32 s17, s3;
	s21 =	smul.u32 $0x2800, s24;
	s8 =	sadd.s32 s18, s3  }
0x10: {  	s9 =	sadd.s32 s19, s3;
	s10 =	sadd.s32 s20, s3;
	s11 =	sadd.s32 s11, s4  }
0x11: {  	s15 =	sadd.s32 s15, s12;
	s17 =	sadd.s32 s12, s17;
	s6 =	sshrl.u32 s6, $0x3  }
0x12: {  	s24 =	sadd.s32 s12, s18;
	s2 =	sadd.s32 s6, s2;
	s21 =	sshrl.u32 s21, $0x3  }
0x13: {  	s6 =	sadd.s32 s25, s3;
	s25 =	sadd.s32 s12, s19;
	s22 =	sadd.s32 s0, s21  }
0x14: {  	s12 =	sadd.s32 s12, s20;
	s26 =	sadd.s32 s13, s21;
	[dreg:$0x6] =	wrdreg s22  }
0x15: {  	s21 =	sadd.s32 $0x280, s21;
	s12 =	sshrl.u32 s12, $0x3;
	[dreg:$0x7] =	wrdreg s26  }
0x16: {  	s0 =	sadd.s32 s0, s21;
	s13 =	sadd.s32 s13, s21;
	s22 =	sshrl.u32 s17, $0x3  }
0x17: {  	s26 =	sshrl.u32 s25, $0x3;
	s20 =	sadd.s32 s14, s12;
	s21 =	sadd.s32 $0xB600, s2  }
0x18: {  	s25 =	simm.s32 $0x2;
	s2 =	simm.s32 $0x15200;
	[dreg:$0x8] =	wrdreg s0  }
0x19: {  	s12 =	simm.s32 $0x16580;
	[dreg:$0x9] =	wrdreg s13;
	s0 =	sshrl.u32 s15, $0x3  }
0x1a: {  	s23 =	sadd.s32 s14, s22;
	s19 =	sadd.s32 s14, s26;
	s22 =	smax.u32 s16, $0x1  }
0x1b: {  	s26 =	simm.s32 $0x13E80;
	s0 =	sadd.s32 s14, s0;
	[dreg:$0xb] =	wrdreg s23  }
0x1c: {  	s13 =	simm.s32 $0x16600;
	[dreg:$0xa] =	wrdreg s0;
	s0 =	sshrl.u32 s24, $0x3  }
0x1d: {  	s23 =	simm.s32 $0x16680;
	s24 =	simm.s32 $0x4;
	s0 =	sadd.s32 s14, s0  }
0x1e: {  	v0 =	vimm.f32 $0.0e+00;
	v1 =	vimm.f32 $1.000000000e+00;
	s14 =	simm.s32 $0x3;
	[dreg:$0xc] =	wrdreg s0;
	s0 =	simm.s32 $0x1E680  }
.LBB2_1:
0x1f: {  	s15 =	simm.s32 $0x0;
	s16 =	simm.s32 $0x200  }
.LBB2_2:
0x20: {  	p0 =	sne.s32 s16, $0xFE00;
	[tilespmem:s15+$0x166F0] =	vst v0  }
0x21: {  	[tilespmem:s15+$0x16680] =	vst v0  }
0x22: {  	[tilespmem:s15+$0x16690] =	vst v0  }
.Ltmp0:
0x23: {  	[tilespmem:s15+$0x166A0] =	vst v0;
	(pc) =	sbr.rel @p0 .LBB2_2-.Ltmp0, $4  }
0x24: {  	[tilespmem:s15+$0x166B0] =	vst v0  }
0x25: {  	[tilespmem:s15+$0x166C0] =	vst v0  }
0x26: {  	[tilespmem:s15+$0x166D0] =	vst v0  }
0x27: {  	[tilespmem:s15+$0x166E0] =	vst v0;
	s15 =	sshra.s32 s16, $0x2;
	s16 =	sadd.s32 $0x200, s16  }
0x28: {  	[tilespmem:s15+$0x166F0] =	vst v0  }
0x29: {  	[tilespmem:s15+$0x16680] =	vst v0  }
0x2a: {  	[tilespmem:s15+$0x16690] =	vst v0  }
0x2b: {  	[tilespmem:s15+$0x166A0] =	vst v0  }
0x2c: {  	[tilespmem:s15+$0x166B0] =	vst v0  }
0x2d: {  	[tilespmem:s15+$0x166C0] =	vst v0  }
0x2e: {  	[tilespmem:s15+$0x166D0] =	vst v0  }
0x2f: {  	[tilespmem:s15+$0x166E0] =	vst v0  }
0x30: {  	[tilespmem:$0x1E700] =	vst v0  }
0x31: {  	[tilespmem:$0x1E710] =	vst v0  }
0x32: {  	[tilespmem:$0x1E720] =	vst v0  }
0x33: {  	[tilespmem:$0x1E730] =	vst v0  }
0x34: {  	[tilespmem:$0x1E740] =	vst v0  }
0x35: {  	[tilespmem:$0x1E750] =	vst v0  }
0x36: {  	[tilespmem:$0x1E760] =	vst v0  }
0x37: {  	[tilespmem:$0x1E770] =	vst v0  }
0x38: {  	[tilespmem:$0x1E780] =	vst v0  }
0x39: {  	[tilespmem:$0x1E790] =	vst v0  }
0x3a: {  	[tilespmem:$0x1E7A0] =	vst v0  }
0x3b: {  	[tilespmem:$0x1E7B0] =	vst v0  }
0x3c: {  	[tilespmem:$0x1E7C0] =	vst v0  }
0x3d: {  	[tilespmem:$0x1E7D0] =	vst v0  }
0x3e: {  	[tilespmem:$0x1E7E0] =	vst v0  }
0x3f: {  	[tilespmem:$0x1E7F0] =	vst v0  }
0x40: {  	[tilespmem:$0x1E800] =	vst v0  }
0x41: {  	[tilespmem:$0x1E810] =	vst v0  }
0x42: {  	[tilespmem:$0x1E820] =	vst v0  }
0x43: {  	[tilespmem:$0x1E830] =	vst v0  }
0x44: {  	[tilespmem:$0x1E840] =	vst v0  }
0x45: {  	[tilespmem:$0x1E850] =	vst v0  }
0x46: {  	[tilespmem:$0x1E860] =	vst v0  }
0x47: {  	[tilespmem:$0x1E870] =	vst v0  }
0x48: {  	[tilespmem:$0x1E880] =	vst v0  }
0x49: {  	[tilespmem:$0x1E890] =	vst v0  }
0x4a: {  	[tilespmem:$0x1E8A0] =	vst v0  }
0x4b: {  	[tilespmem:$0x1E8B0] =	vst v0  }
0x4c: {  	[tilespmem:$0x1E8C0] =	vst v0  }
0x4d: {  	[tilespmem:$0x1E8D0] =	vst v0  }
0x4e: {  	[tilespmem:$0x1E8E0] =	vst v0  }
0x4f: {  	[tilespmem:$0x1E8F0] =	vst v0  }
0x50: {  	[tilespmem:$0x1E900] =	vst v0  }
0x51: {  	[tilespmem:$0x1E910] =	vst v0  }
0x52: {  	[tilespmem:$0x1E920] =	vst v0  }
0x53: {  	[tilespmem:$0x1E930] =	vst v0  }
0x54: {  	[tilespmem:$0x1E940] =	vst v0  }
0x55: {  	[tilespmem:$0x1E950] =	vst v0  }
0x56: {  	[tilespmem:$0x1E960] =	vst v0  }
0x57: {  	[tilespmem:$0x1E970] =	vst v0  }
0x58: {  	[tilespmem:$0x1E680] =	vst v1  }
0x59: {  	[tilespmem:$0x1E690] =	vst v1  }
0x5a: {  	[tilespmem:$0x1E6A0] =	vst v1  }
0x5b: {  	[tilespmem:$0x1E6B0] =	vst v1  }
0x5c: {  	[tilespmem:$0x1E6C0] =	vst v1  }
0x5d: {  	[tilespmem:$0x1E6D0] =	vst v1  }
0x5e: {  	[tilespmem:$0x1E6E0] =	vst v1  }
0x5f: {  	[tilespmem:$0x1E6F0] =	vst v1  }
0x60: {  	[spmem:s6] =	stream.linear.scatter [tilespmem:s23], [sflag:$0x4], $0x4000, $0x38;
	[tilespmem:$0x1E980] =	vst v63  }
0x61: {  	_ =	swait.ge [sflag:s24], $0x4000  }
0x62: {  	[sflag:s24] =	ssyncset.done $0x0  }
0x63: {  	[sflag:s24] =	ssyncadd.s32 $0xFFFFC000  }
0x64: {  	[spmem:s7] =	stream.linear.scatter [tilespmem:s23], [sflag:$0x4], $0x4000, $0x38;
	[tilespmem:$0x1E980] =	vst v63  }
0x65: {  	_ =	swait.ge [sflag:s24], $0x4000  }
0x66: {  	[sflag:s24] =	ssyncset.done $0x0  }
0x67: {  	[sflag:s24] =	ssyncadd.s32 $0xFFFFC000  }
0x68: {  	[spmem:s8] =	stream.linear.scatter [tilespmem:s23], [sflag:$0x4], $0x4000, $0x38;
	[tilespmem:$0x1E980] =	vst v63  }
0x69: {  	_ =	swait.ge [sflag:s24], $0x4000  }
0x6a: {  	[sflag:s24] =	ssyncset.done $0x0  }
0x6b: {  	[sflag:s24] =	ssyncadd.s32 $0xFFFFC000  }
0x6c: {  	[spmem:s9] =	stream.linear.scatter [tilespmem:s23], [sflag:$0x4], $0x4000, $0x38;
	[tilespmem:$0x1E980] =	vst v63  }
0x6d: {  	_ =	swait.ge [sflag:s24], $0x4000  }
0x6e: {  	[sflag:s24] =	ssyncset.done $0x0  }
0x6f: {  	[sflag:s24] =	ssyncadd.s32 $0xFFFFC000  }
0x70: {  	[spmem:s10] =	stream.linear.scatter [tilespmem:s23], [sflag:$0x4], $0x3C00, $0x38;
	[tilespmem:$0x1E980] =	vst v63  }
0x71: {  	_ =	swait.ge [sflag:s24], $0x3C00  }
0x72: {  	[sflag:s24] =	ssyncset.done $0x0  }
0x73: {  	s16 =	simm.s32 $0x1E700;
	[sflag:s24] =	ssyncadd.s32 $0xFFFFC400  }
0x74: {  	[spmem:s11] =	stream.linear.scatter [tilespmem:s16], [sflag:$0x4], $0x280, $0x38;
	[tilespmem:$0x1E980] =	vst v63  }
0x75: {  	_ =	swait.ge [sflag:s24], $0x280  }
0x76: {  	[sflag:s24] =	ssyncset.done $0x0  }
0x77: {  	[sflag:s24] =	ssyncadd.s32 $0xFFFFFD80  }
0x78: {  	[bflag:$0x0] =	sbarrier.arrive $0xFFFF  }
0x79: {  	s17 =	simm.s32 $0x0;
	s16 =	rddreg [dreg:$0x6]  }
0x7a: {  	[tilespmem:s26], [sflag:$0x4] =	stream.linear.gather [hbm4b:s16+s17], $0x1400, $0x38;
	[tilespmem:$0x1E980] =	vst v63  }
0x7b: {  	_ =	swait.ge [sflag:s24], $0x1400  }
0x7c: {  	[sflag:s24] =	ssyncset.done $0x0  }
0x7d: {  	s18 =	rddreg [dreg:$0x7];
	[sflag:s24] =	ssyncadd.s32 $0xFFFFEC00  }
0x7e: {  	[tilespmem:s28], [sflag:$0x4] =	stream.linear.gather [hbm4b:s18+s17], $0x1400, $0x38;
	[tilespmem:$0x1E980] =	vst v63  }
0x7f: {  	_ =	swait.ge [sflag:s24], $0x1400  }
0x80: {  	[sflag:s24] =	ssyncset.done $0x0  }
0x81: {  	[sflag:s24] =	ssyncadd.s32 $0xFFFFEC00  }
0x82: {  	[tilespmem:s23], [sflag:$0x1] =	stream.indirect.gather [hbm4b:s1+s29], $0x80, s26, s29, $0xb8;
	[tilespmem:$0x1E980] =	vst v63  }
0x83: {  	_ =	swait.ge [sflag:s30], $0x4000  }
0x84: {  	[sflag:s30] =	ssyncset.done $0x0  }
0x85: {  	s16 =	simm.s32 $0x13F00;
	[sflag:s30] =	ssyncadd.s32 $0xFFFFC000  }
0x86: {  	[tilespmem:s31], [sflag:$0x2] =	stream.indirect.gather [hbm4b:s1+s29], $0x80, s16, s29, $0xb8;
	[tilespmem:$0x1E980] =	vst v63  }
0x87: {  	s17 =	simm.s32 $0x15280  }
0x88: {  	[spmem:s3] =	stream.indirect.scatter.add.f32 [tilespmem:s23], [sflag:$0x4], $0x80, s17, s29, $0xb8;
	[tilespmem:$0x1E980] =	vst v63  }
0x89: {  	_ =	swait.ge [sflag:s24], $0x4000  }
0x8a: {  	[sflag:s24] =	ssyncset.done $0x0  }
0x8b: {  	[sflag:s24] =	ssyncadd.s32 $0xFFFFC000  }
0x8c: {  	[spmem:s4] =	stream.indirect.scatter.add.f32 [tilespmem:s0], [sflag:$0x3], $0x1, s17, s29, $0xb8;
	[tilespmem:$0x1E980] =	vst v63  }
0x8d: {  	_ =	swait.ge [sflag:s25], $0x4000  }
0x8e: {  	[sflag:s25] =	ssyncset.done $0x0  }
0x8f: {  	s18 =	simm.s32 $0x13F80;
	[sflag:s25] =	ssyncadd.s32 $0xFFFFC000  }
0x90: {  	[tilespmem:s23], [sflag:$0x1] =	stream.indirect.gather [hbm4b:s1+s29], $0x80, s18, s29, $0xb8;
	[tilespmem:$0x1E980] =	vst v63  }
0x91: {  	s16 =	simm.s32 $0x15300  }
0x92: {  	[spmem:s3] =	stream.indirect.scatter.add.f32 [tilespmem:s31], [sflag:$0x4], $0x80, s16, s29, $0xb8;
	[tilespmem:$0x1E980] =	vst v63  }
0x93: {  	_ =	swait.ge [sflag:s24], $0x4000  }
0x94: {  	[sflag:s24] =	ssyncset.done $0x0  }
0x95: {  	s15 =	simm.s32 $0x400;
	[sflag:s24] =	ssyncadd.s32 $0xFFFFC000  }
.LBB2_4:
0x96: {  	[spmem:s4] =	stream.indirect.scatter.add.f32 [tilespmem:s0], [sflag:$0x3], $0x1, s16, s29, $0xb8;
	[tilespmem:$0x1E980] =	vst v63  }
0x97: {  	s16 =	smov.u32 s15  }
0x98: {  	p0 =	sne.s32 s15, $0x4800;
	s15 =	sadd.s32 $0x400, s15;
	_ =	swait.ge [sflag:s30], $0x4000  }
0x99: {  	s16 =	sshra.s32 s16, $0x2;
	[sflag:s30] =	ssyncset.done $0x0  }
0x9a: {  	s17 =	sadd.s32 $0x13F00, s16;
	[sflag:s30] =	ssyncadd.s32 $0xFFFFC000  }
0x9b: {  	[tilespmem:s31], [sflag:$0x2] =	stream.indirect.gather [hbm4b:s1+s29], $0x80, s17, s29, $0xb8;
	[tilespmem:$0x1E980] =	vst v63  }
0x9c: {  	s17 =	sadd.s32 $0x15280, s16  }
0x9d: {  	[spmem:s3] =	stream.indirect.scatter.add.f32 [tilespmem:s23], [sflag:$0x4], $0x80, s17, s29, $0xb8;
	[tilespmem:$0x1E980] =	vst v63  }
0x9e: {  	_ =	swait.ge [sflag:s24], $0x4000  }
0x9f: {  	[sflag:s24] =	ssyncset.done $0x0  }
0xa0: {  	[sflag:s24] =	ssyncadd.s32 $0xFFFFC000  }
0xa1: {  	[spmem:s4] =	stream.indirect.scatter.add.f32 [tilespmem:s0], [sflag:$0x3], $0x1, s17, s29, $0xb8;
	[tilespmem:$0x1E980] =	vst v63  }
0xa2: {  	_ =	swait.ge [sflag:s25], $0x4000  }
0xa3: {  	[sflag:s25] =	ssyncset.done $0x0  }
0xa4: {  	s17 =	sadd.s32 $0x13F80, s16;
	[sflag:s25] =	ssyncadd.s32 $0xFFFFC000  }
0xa5: {  	[tilespmem:s23], [sflag:$0x1] =	stream.indirect.gather [hbm4b:s1+s29], $0x80, s17, s29, $0xb8;
	[tilespmem:$0x1E980] =	vst v63  }
.Ltmp1:
0xa6: {  	s16 =	sadd.s32 $0x15300, s16;
	(pc) =	sbr.rel @p0 .LBB2_4-.Ltmp1, $4  }
0xa7: {  	[spmem:s3] =	stream.indirect.scatter.add.f32 [tilespmem:s31], [sflag:$0x4], $0x80, s16, s29, $0xb8;
	[tilespmem:$0x1E980] =	vst v63  }
0xa8: {  	_ =	swait.ge [sflag:s24], $0x4000  }
0xa9: {  	[sflag:s24] =	ssyncset.done $0x0  }
0xaa: {  	[sflag:s24] =	ssyncadd.s32 $0xFFFFC000  }
0xab: {  	[spmem:s4] =	stream.indirect.scatter.add.f32 [tilespmem:s0], [sflag:$0x3], $0x1, s16, s29, $0xb8;
	[tilespmem:$0x1E980] =	vst v63  }
0xac: {  	_ =	swait.ge [sflag:s30], $0x4000  }
0xad: {  	[sflag:s30] =	ssyncset.done $0x0  }
0xae: {  	[sflag:s30] =	ssyncadd.s32 $0xFFFFC000  }
0xaf: {  	[tilespmem:s31], [sflag:$0x2] =	stream.indirect.gather [hbm4b:s1+s29], $0x80, s2, s29, $0xb8;
	[tilespmem:$0x1E980] =	vst v63  }
0xb0: {  	_ = 	snop  }
0xb1: {  	[spmem:s3] =	stream.indirect.scatter.add.f32 [tilespmem:s23], [sflag:$0x4], $0x80, s12, s29, $0xb8;
	[tilespmem:$0x1E980] =	vst v63  }
0xb2: {  	_ =	swait.ge [sflag:s24], $0x4000  }
0xb3: {  	[sflag:s24] =	ssyncset.done $0x0  }
0xb4: {  	[sflag:s24] =	ssyncadd.s32 $0xFFFFC000  }
0xb5: {  	[spmem:s4] =	stream.indirect.scatter.add.f32 [tilespmem:s0], [sflag:$0x3], $0x1, s12, s29, $0xb8;
	[tilespmem:$0x1E980] =	vst v63  }
0xb6: {  	_ =	swait.ge [sflag:s25], $0x4000  }
0xb7: {  	[sflag:s25] =	ssyncset.done $0x0  }
0xb8: {  	[sflag:s25] =	ssyncadd.s32 $0xFFFFC000  }
0xb9: {  	[spmem:s3] =	stream.indirect.scatter.add.f32 [tilespmem:s31], [sflag:$0x4], $0x80, s13, s29, $0xb8;
	[tilespmem:$0x1E980] =	vst v63  }
0xba: {  	_ =	swait.ge [sflag:s24], $0x4000  }
0xbb: {  	[sflag:s24] =	ssyncset.done $0x0  }
0xbc: {  	[sflag:s24] =	ssyncadd.s32 $0xFFFFC000  }
0xbd: {  	[spmem:s4] =	stream.indirect.scatter.add.f32 [tilespmem:s0], [sflag:$0x3], $0x1, s13, s29, $0xb8;
	[tilespmem:$0x1E980] =	vst v63  }
0xbe: {  	_ =	swait.ge [sflag:s14], $0x80  }
0xbf: {  	s15 =	simm.s32 $0x27;
	[sflag:s14] =	ssyncset.done $0x0  }
.LBB2_6:
0xc0: {  	p0 =	sne.s32 s15, $0x1;
	s15 =	sadd.s32 $0xFFFFFFFF, s15;
	[sflag:s14] =	ssyncadd.s32 $0xFFFFFF80  }
.Ltmp2:
0xc1: {  	(pc) =	sbr.rel @p0 .LBB2_6-.Ltmp2, $3  }
0xc2: {  	_ =	sdelay $0x1  }
0xc3: {  	_ =	swait.ge [sflag:s14], $0x80  }
0xc4: {  	[sflag:s14] =	ssyncset.done $0x0  }
0xc5: {  	[sflag:s14] =	ssyncadd.s32 $0xFFFFFF80;
	s15 =	simm.s32 $0x0;
	s16 =	rddreg [dreg:$0x8]  }
0xc6: {  	[tilespmem:s26], [sflag:$0x4] =	stream.linear.gather [hbm4b:s16+s15], $0x1400, $0x38;
	[tilespmem:$0x1E980] =	vst v63  }
0xc7: {  	_ =	swait.ge [sflag:s24], $0x1400  }
0xc8: {  	[sflag:s24] =	ssyncset.done $0x0  }
0xc9: {  	s18 =	rddreg [dreg:$0x9];
	[sflag:s24] =	ssyncadd.s32 $0xFFFFEC00  }
0xca: {  	[tilespmem:s28], [sflag:$0x4] =	stream.linear.gather [hbm4b:s18+s15], $0x1400, $0x38;
	[tilespmem:$0x1E980] =	vst v63  }
0xcb: {  	_ =	swait.ge [sflag:s24], $0x1400  }
0xcc: {  	[sflag:s24] =	ssyncset.done $0x0  }
0xcd: {  	[sflag:s24] =	ssyncadd.s32 $0xFFFFEC00  }
0xce: {  	[tilespmem:s23], [sflag:$0x1] =	stream.indirect.gather [hbm4b:s1+s29], $0x80, s26, s29, $0xb8;
	[tilespmem:$0x1E980] =	vst v63  }
0xcf: {  	_ =	swait.ge [sflag:s30], $0x4000  }
0xd0: {  	[sflag:s30] =	ssyncset.done $0x0  }
0xd1: {  	s16 =	simm.s32 $0x13F00;
	[sflag:s30] =	ssyncadd.s32 $0xFFFFC000  }
0xd2: {  	[tilespmem:s31], [sflag:$0x2] =	stream.indirect.gather [hbm4b:s1+s29], $0x80, s16, s29, $0xb8;
	[tilespmem:$0x1E980] =	vst v63  }
0xd3: {  	s17 =	simm.s32 $0x15280  }
0xd4: {  	[spmem:s3] =	stream.indirect.scatter.add.f32 [tilespmem:s23], [sflag:$0x4], $0x80, s17, s29, $0xb8;
	[tilespmem:$0x1E980] =	vst v63  }
0xd5: {  	_ =	swait.ge [sflag:s24], $0x4000  }
0xd6: {  	[sflag:s24] =	ssyncset.done $0x0  }
0xd7: {  	[sflag:s24] =	ssyncadd.s32 $0xFFFFC000  }
0xd8: {  	[spmem:s4] =	stream.indirect.scatter.add.f32 [tilespmem:s0], [sflag:$0x3], $0x1, s17, s29, $0xb8;
	[tilespmem:$0x1E980] =	vst v63  }
0xd9: {  	_ =	swait.ge [sflag:s25], $0x4000  }
0xda: {  	[sflag:s25] =	ssyncset.done $0x0  }
0xdb: {  	s18 =	simm.s32 $0x13F80;
	[sflag:s25] =	ssyncadd.s32 $0xFFFFC000  }
0xdc: {  	[tilespmem:s23], [sflag:$0x1] =	stream.indirect.gather [hbm4b:s1+s29], $0x80, s18, s29, $0xb8;
	[tilespmem:$0x1E980] =	vst v63  }
0xdd: {  	s16 =	simm.s32 $0x15300  }
0xde: {  	[spmem:s3] =	stream.indirect.scatter.add.f32 [tilespmem:s31], [sflag:$0x4], $0x80, s16, s29, $0xb8;
	[tilespmem:$0x1E980] =	vst v63  }
0xdf: {  	_ =	swait.ge [sflag:s24], $0x4000  }
0xe0: {  	[sflag:s24] =	ssyncset.done $0x0  }
0xe1: {  	s15 =	simm.s32 $0x400;
	[sflag:s24] =	ssyncadd.s32 $0xFFFFC000  }
.LBB2_8:
0xe2: {  	[spmem:s4] =	stream.indirect.scatter.add.f32 [tilespmem:s0], [sflag:$0x3], $0x1, s16, s29, $0xb8;
	[tilespmem:$0x1E980] =	vst v63  }
0xe3: {  	s16 =	smov.u32 s15  }
0xe4: {  	p0 =	sne.s32 s15, $0x4800;
	s15 =	sadd.s32 $0x400, s15;
	_ =	swait.ge [sflag:s30], $0x4000  }
0xe5: {  	s16 =	sshra.s32 s16, $0x2;
	[sflag:s30] =	ssyncset.done $0x0  }
0xe6: {  	s17 =	sadd.s32 $0x13F00, s16;
	[sflag:s30] =	ssyncadd.s32 $0xFFFFC000  }
0xe7: {  	[tilespmem:s31], [sflag:$0x2] =	stream.indirect.gather [hbm4b:s1+s29], $0x80, s17, s29, $0xb8;
	[tilespmem:$0x1E980] =	vst v63  }
0xe8: {  	s17 =	sadd.s32 $0x15280, s16  }
0xe9: {  	[spmem:s3] =	stream.indirect.scatter.add.f32 [tilespmem:s23], [sflag:$0x4], $0x80, s17, s29, $0xb8;
	[tilespmem:$0x1E980] =	vst v63  }
0xea: {  	_ =	swait.ge [sflag:s24], $0x4000  }
0xeb: {  	[sflag:s24] =	ssyncset.done $0x0  }
0xec: {  	[sflag:s24] =	ssyncadd.s32 $0xFFFFC000  }
0xed: {  	[spmem:s4] =	stream.indirect.scatter.add.f32 [tilespmem:s0], [sflag:$0x3], $0x1, s17, s29, $0xb8;
	[tilespmem:$0x1E980] =	vst v63  }
0xee: {  	_ =	swait.ge [sflag:s25], $0x4000  }
0xef: {  	[sflag:s25] =	ssyncset.done $0x0  }
0xf0: {  	s17 =	sadd.s32 $0x13F80, s16;
	[sflag:s25] =	ssyncadd.s32 $0xFFFFC000  }
0xf1: {  	[tilespmem:s23], [sflag:$0x1] =	stream.indirect.gather [hbm4b:s1+s29], $0x80, s17, s29, $0xb8;
	[tilespmem:$0x1E980] =	vst v63  }
.Ltmp3:
0xf2: {  	s16 =	sadd.s32 $0x15300, s16;
	(pc) =	sbr.rel @p0 .LBB2_8-.Ltmp3, $4  }
0xf3: {  	[spmem:s3] =	stream.indirect.scatter.add.f32 [tilespmem:s31], [sflag:$0x4], $0x80, s16, s29, $0xb8;
	[tilespmem:$0x1E980] =	vst v63  }
0xf4: {  	_ =	swait.ge [sflag:s24], $0x4000  }
0xf5: {  	[sflag:s24] =	ssyncset.done $0x0  }
0xf6: {  	[sflag:s24] =	ssyncadd.s32 $0xFFFFC000  }
0xf7: {  	[spmem:s4] =	stream.indirect.scatter.add.f32 [tilespmem:s0], [sflag:$0x3], $0x1, s16, s29, $0xb8;
	[tilespmem:$0x1E980] =	vst v63  }
0xf8: {  	_ =	swait.ge [sflag:s30], $0x4000  }
0xf9: {  	[sflag:s30] =	ssyncset.done $0x0  }
0xfa: {  	[sflag:s30] =	ssyncadd.s32 $0xFFFFC000  }
0xfb: {  	[tilespmem:s31], [sflag:$0x2] =	stream.indirect.gather [hbm4b:s1+s29], $0x80, s2, s29, $0xb8;
	[tilespmem:$0x1E980] =	vst v63  }
0xfc: {  	_ = 	snop  }
0xfd: {  	[spmem:s3] =	stream.indirect.scatter.add.f32 [tilespmem:s23], [sflag:$0x4], $0x80, s12, s29, $0xb8;
	[tilespmem:$0x1E980] =	vst v63  }
0xfe: {  	_ =	swait.ge [sflag:s24], $0x4000  }
0xff: {  	[sflag:s24] =	ssyncset.done $0x0  }
0x100: {  	[sflag:s24] =	ssyncadd.s32 $0xFFFFC000  }
0x101: {  	[spmem:s4] =	stream.indirect.scatter.add.f32 [tilespmem:s0], [sflag:$0x3], $0x1, s12, s29, $0xb8;
	[tilespmem:$0x1E980] =	vst v63  }
0x102: {  	_ =	swait.ge [sflag:s25], $0x4000  }
0x103: {  	[sflag:s25] =	ssyncset.done $0x0  }
0x104: {  	[sflag:s25] =	ssyncadd.s32 $0xFFFFC000  }
0x105: {  	[spmem:s3] =	stream.indirect.scatter.add.f32 [tilespmem:s31], [sflag:$0x4], $0x80, s13, s29, $0xb8;
	[tilespmem:$0x1E980] =	vst v63  }
0x106: {  	_ =	swait.ge [sflag:s24], $0x4000  }
0x107: {  	[sflag:s24] =	ssyncset.done $0x0  }
0x108: {  	[sflag:s24] =	ssyncadd.s32 $0xFFFFC000  }
0x109: {  	[spmem:s4] =	stream.indirect.scatter.add.f32 [tilespmem:s0], [sflag:$0x3], $0x1, s13, s29, $0xb8;
	[tilespmem:$0x1E980] =	vst v63  }
0x10a: {  	_ =	swait.ge [sflag:s14], $0x80  }
0x10b: {  	s15 =	simm.s32 $0x27;
	[sflag:s14] =	ssyncset.done $0x0  }
.LBB2_10:
0x10c: {  	p0 =	sne.s32 s15, $0x1;
	s15 =	sadd.s32 $0xFFFFFFFF, s15;
	[sflag:s14] =	ssyncadd.s32 $0xFFFFFF80  }
.Ltmp4:
0x10d: {  	(pc) =	sbr.rel @p0 .LBB2_10-.Ltmp4, $3  }
0x10e: {  	_ =	sdelay $0x1  }
0x10f: {  	_ =	swait.ge [sflag:s14], $0x80  }
0x110: {  	[sflag:s14] =	ssyncset.done $0x0  }
0x111: {  	[sflag:s14] =	ssyncadd.s32 $0xFFFFFF80;
	s15 =	stileid.u32  }
0x112: {  	s15 =	sshll.u32 s15, $0x6;
	[bflag:$0x0] =	sbarrier.arrive $0xFFFF  }
0x113: {  	s17 =	sshrl.u32 s6, $0x3;
	s16 =	sor.u32 $0x1C01, s15;
	s18 =	rddreg [dreg:$0xa]  }
0x114: {  	[hbm:s18], [sflag:s16] =	dma.local [spmem:s17], $0x800  }
0x115: {  	s17 =	sshrl.u32 s7, $0x3;
	s18 =	rddreg [dreg:$0xb]  }
0x116: {  	[hbm:s18], [sflag:s16] =	dma.local [spmem:s17], $0x800  }
0x117: {  	s17 =	sshrl.u32 s8, $0x3;
	s18 =	rddreg [dreg:$0xc]  }
0x118: {  	[hbm:s18], [sflag:s16] =	dma.local [spmem:s17], $0x800  }
0x119: {  	s18 =	sshrl.u32 s9, $0x3  }
0x11a: {  	[hbm:s19], [sflag:s16] =	dma.local [spmem:s18], $0x800  }
0x11b: {  	s17 =	sor.u32 $0x1C02, s15;
	s18 =	sshrl.u32 s10, $0x3  }
0x11c: {  	[hbm:s20], [sflag:s17] =	dma.local [spmem:s18], $0x780  }
0x11d: {  	s15 =	sor.u32 $0x1C04, s15;
	s18 =	sshrl.u32 s11, $0x3  }
0x11e: {  	[hbm:s21], [sflag:s15] =	dma.local [spmem:s18], $0x50  }
0x11f: {  	_ =	swait.ge [sflag:s24], $0x50  }
0x120: {  	[sflag:s24] =	ssyncset.done $0x0  }
0x121: {  	[sflag:s24] =	ssyncadd.s32 $0xFFFFFFB0  }
0x122: {  	_ =	swait.ge [sflag:s30], $0x800  }
0x123: {  	[sflag:s30] =	ssyncset.done $0x0  }
0x124: {  	[sflag:s30] =	ssyncadd.s32 $0xFFFFF800  }
0x125: {  	_ =	swait.ge [sflag:s30], $0x800  }
0x126: {  	[sflag:s30] =	ssyncset.done $0x0  }
0x127: {  	[sflag:s30] =	ssyncadd.s32 $0xFFFFF800  }
0x128: {  	_ =	swait.ge [sflag:s30], $0x800  }
0x129: {  	[sflag:s30] =	ssyncset.done $0x0  }
0x12a: {  	s5 =	sadd.s32 $0x1, s5;
	[sflag:s30] =	ssyncadd.s32 $0xFFFFF800  }
0x12b: {  	p0 =	sne.s32 s5, s22;
	_ =	swait.ge [sflag:s30], $0x800  }
.Ltmp5:
0x12c: {  	[sflag:s30] =	ssyncset.done $0x0;
	(pc) =	sbr.rel @p0 .LBB2_1-.Ltmp5, $4  }
0x12d: {  	[sflag:s30] =	ssyncadd.s32 $0xFFFFF800  }
0x12e: {  	_ =	swait.ge [sflag:s25], $0x780  }
0x12f: {  	[sflag:s25] =	ssyncset.done $0x0  }
0x130: {  	[sflag:s25] =	ssyncadd.s32 $0xFFFFF880  }
0x131: {  	_ =	sfence.sel $0x180000  }
0x132: {  	[bflag:$0x0] =	sbarrier.arrive $0xFFFF  }
0x133: {  	_ =	strace $0x90000047  }
0x134: {  	s0 =	stileid.u32;
	[bflag:$0x2] =	sbarrier.arrive $0xFFFF  }
0x135: {  	p0 =	sne.s32 s0, $0x0;
	s0 =	rddreg [dreg:$0x5]  }
0x136: {  	s0 =	sadd.s32 @!p0 $0x100000, s0  }
0x137: {  	[sflag:s0] =	ssyncadd.tile.s32 @!p0 $0x1;
	_ =	shalt  }
.Lfunc_end2:
_tile_overlayer_lowered:
.L_overlay_start_2:
0x138: {  	(tag) =	ssettag $0x2  }
0x139: {  	s0 =	rddreg [dreg:$0x0];
	s2 =	stileid.u32  }
0x13a: {  	s1 =	rddreg [dreg:$0x1];
	p0 =	sne.s32 s2, $0x0  }
0x13b: {  	s3 =	rddreg [dreg:$0x2];
	[bflag:$0x3] =	sbarrier.arrive $0xFFFF;
	s2 =	simm.s32 @!p0 $0x1C04  }
0x13c: {  	[timem:s3], [sflag:s2] =	dma.local @!p0 [hbm:s0], s1  }
0x13d: {  	s0 =	simm.s32 @!p0 $0x4  }
0x13e: {  	_ =	swait.ge @!p0 [sflag:s0], s1  }
0x13f: {  	s1 =	ssub.s32 @!p0 $0x0, s1;
	[sflag:s0] =	ssyncset.done @!p0 $0x0  }
0x140: {  	[sflag:s0] =	ssyncadd.s32 @!p0 s1  }
0x141: {  	[bflag:$0x3] =	sbarrier.arrive $0xFFFF  }
0x142: {  	_ =	shalt  }

</sc_bundles>
